<compile_context>
chip_gen: v7x
topology: tpu7x:2x2x1
jax: 0.10.2.dev20260603
libtpu: 0.0.44.dev20260713+nightly
codegen_flags: <defaults>
</compile_context>

<pallas_src>
import jax
import jax.numpy as jnp
from jax.experimental import pallas as pl
from jax.experimental.pallas import tpu as pltpu
from jax.experimental.pallas import tpu_sc as plsc


def _dot(x, y, dims):
    return jax.lax.dot_general(x, y, (dims, ((), ())),
                               preferred_element_type=jnp.float32)


def _bdot(x, y, dims):
    return _dot(x.astype(jnp.bfloat16), y.astype(jnp.bfloat16), dims)


def _split3(x):
    a = x.astype(jnp.bfloat16)
    r1 = x - a.astype(jnp.float32)
    b = r1.astype(jnp.bfloat16)
    c = (r1 - b.astype(jnp.float32)).astype(jnp.bfloat16)
    return a, b, c


def _gather3(oh, cba, cbb, cbc):
    dims = ((1,), (0,))
    return (_dot(oh, cba, dims) + _dot(oh, cbb, dims)) + _dot(oh, cbc, dims)



def _rowsq_body(cb_ref, out_ref):
    cb = cb_ref[...]
    a, b, c = _split3(cb * cb)
    ones = jnp.ones((1, cb.shape[1]), jnp.bfloat16)
    dims = ((1,), (1,))
    out_ref[...] = (_dot(ones, a, dims) + _dot(ones, b, dims)) + _dot(
        ones, c, dims)


def _rowsq(cb, tk=4096):
    k, d = cb.shape
    tk = min(tk, k)
    return pl.pallas_call(
        _rowsq_body,
        grid=(k // tk,),
        in_specs=[pl.BlockSpec((tk, d), lambda i: (i, 0))],
        out_specs=pl.BlockSpec((1, tk), lambda i: (0, i)),
        out_shape=jax.ShapeDtypeStruct((1, k), jnp.float32),
    )(cb)



def _split3_body(x_ref, a_ref, b_ref, c_ref):
    a, b, c = _split3(x_ref[...])
    a_ref[...] = a
    b_ref[...] = b
    c_ref[...] = c


def _split3_k(x):
    sh = jax.ShapeDtypeStruct(x.shape, jnp.bfloat16)
    return pl.pallas_call(_split3_body, out_shape=[sh, sh, sh])(x)



def _vq2_body(z_ref, cbsn2_ref, cbsq_ref, iot_ref, si_ref, di_ref):
    k = cbsn2_ref.shape[0] // 2
    z = z_ref[...]
    zsq = jnp.sum(z * z, axis=1, keepdims=True)
    zn2 = _dot(z.astype(jnp.bfloat16), cbsn2_ref[...], (((1,), (1,))))
    dist = (zsq + zn2) + cbsq_ref[...]
    iot = iot_ref[...]
    for half, ref in ((dist[:, :k], si_ref), (dist[:, k:], di_ref)):
        m = jnp.min(half, axis=1, keepdims=True)
        ref[0, 0, :] = jnp.min(
            jnp.where(half == m, iot, jnp.float32(k)), axis=1).astype(jnp.int32)


def _vq_argmin2(z, cbs16, cbsq2, iota_f, tm):
    n, d = z.shape
    k2 = cbs16.shape[0]
    nt = n // tm
    ispec = pl.BlockSpec((1, 1, tm), lambda i: (i, 0, 0))
    ishape = jax.ShapeDtypeStruct((nt, 1, tm), jnp.int32)
    si3, di3 = pl.pallas_call(
        _vq2_body,
        grid=(nt,),
        in_specs=[
            pl.BlockSpec((tm, d), lambda i: (i, 0)),
            pl.BlockSpec((k2, d), lambda i: (0, 0)),
            pl.BlockSpec((1, k2), lambda i: (0, 0)),
            pl.BlockSpec((1, k2 // 2), lambda i: (0, 0)),
        ],
        out_specs=[ispec, ispec],
        out_shape=[ishape, ishape],
    )(z, cbs16, cbsq2, iota_f)
    return si3.reshape(n), di3.reshape(n)



_GW = 128


def _sc_gather(table, idx):
    n = idx.shape[0]
    d = table.shape[1]
    idx2 = idx.reshape(1, n)
    mesh = plsc.VectorSubcoreMesh(core_axis_name="core",
                                  subcore_axis_name="subcore")

    @pl.kernel(out_type=jax.ShapeDtypeStruct((n, d), table.dtype), mesh=mesh)
    def run(tab_hbm, i_hbm, o_hbm):
        def body(i_vmem, o_vmem):
            pltpu.sync_copy(tab_hbm.at[i_vmem.at[0]], o_vmem)

        pltpu.emit_pipeline(
            body,
            grid=(n // _GW,),
            in_specs=[pl.BlockSpec((1, _GW), lambda i: (0, i))],
            out_specs=[pl.BlockSpec((_GW, d), lambda i: (i, 0))],
            core_axis_name=("core", "subcore"),
            dimension_semantics=(pltpu.PARALLEL,),
        )(i_hbm, o_hbm)

    return run(table, idx2)



def _mm1_body(z_ref, qs_ref, qd_ref, w1_ref, b1_ref, h_ref, part_ref):
    z = z_ref[...]
    qs = qs_ref[...]
    qd = qd_ref[...]
    comb = jnp.concatenate([z + (qs - z), z + (qd - z)], axis=1)
    h_ref[...] = _bdot(comb, w1_ref[...], (((1,), (1,)))) + b1_ref[...]
    part_ref[...] = jnp.concatenate(
        [jnp.sum((z - qs) ** 2, axis=0, keepdims=True),
         jnp.sum((z - qd) ** 2, axis=0, keepdims=True)], axis=0)[None]


def _mm1(z, q_sem, q_det, w1, b1, tm):
    n, d = z.shape
    nt = n // tm
    row = lambda i: (i, 0)
    h, parts = pl.pallas_call(
        _mm1_body,
        grid=(nt,),
        in_specs=[
            pl.BlockSpec((tm, d), row),
            pl.BlockSpec((tm, d), row),
            pl.BlockSpec((tm, d), row),
            pl.BlockSpec((d, 2 * d), lambda i: (0, 0)),
            pl.BlockSpec((1, d), lambda i: (0, 0)),
        ],
        out_specs=[
            pl.BlockSpec((tm, d), row),
            pl.BlockSpec((1, 2, d), lambda i: (i, 0, 0)),
        ],
        out_shape=[
            jax.ShapeDtypeStruct((n, d), jnp.float32),
            jax.ShapeDtypeStruct((nt, 2, d), jnp.float32),
        ],
    )(z, q_sem, q_det, w1, b1.reshape(1, d))
    return h, parts



def _ln_gelu_mm2_body(h_ref, m_ref, v_ref, g_ref, b_ref, w2_ref, b2_ref,
                      out_ref):
    h = h_ref[...]
    ln = ((h - m_ref[...]) / jnp.sqrt(v_ref[...] + 1e-5) * g_ref[...]
          + b_ref[...])
    act = jax.nn.gelu(ln)
    out_ref[...] = _bdot(act, w2_ref[...], (((1,), (1,)))) + b2_ref[...]


def _ln_gelu_mm2(h, m, v, g, b, w2, b2, tm):
    n, d = h.shape
    nt = n // tm
    row = lambda i: (i, 0)
    const = lambda i: (0, 0)
    return pl.pallas_call(
        _ln_gelu_mm2_body,
        grid=(nt,),
        in_specs=[
            pl.BlockSpec((tm, d), row),
            pl.BlockSpec((tm, 1), row),
            pl.BlockSpec((tm, 1), row),
            pl.BlockSpec((1, d), const),
            pl.BlockSpec((1, d), const),
            pl.BlockSpec((d, d), const),
            pl.BlockSpec((1, d), const),
        ],
        out_specs=pl.BlockSpec((tm, d), row),
        out_shape=jax.ShapeDtypeStruct((n, d), jnp.float32),
    )(h, m, v, g.reshape(1, d), b.reshape(1, d), w2, b2.reshape(1, d))



def _rvq_body(h_ref, m_ref, v_ref, g_ref, b_ref, ra_ref, rb_ref, rc_ref,
              rsq_ref, iot_ref, wo_ref, bo_ref, out_ref, i0_ref, i1_ref,
              i2_ref, i3_ref, part_ref):
    h = h_ref[...]
    refined = ((h - m_ref[...]) / jnp.sqrt(v_ref[...] + 1e-5) * g_ref[...]
               + b_ref[...])
    idx_refs = (i0_ref, i1_ref, i2_ref, i3_ref)
    krvq = ra_ref.shape[1]
    r = refined
    quant = jnp.zeros_like(refined)
    parts = []
    for s in range(ra_ref.shape[0]):
        ca, cb, cc = ra_ref[s], rb_ref[s], rc_ref[s]
        rsq = jnp.sum(r * r, axis=1, keepdims=True)
        zn = _dot(r.astype(jnp.bfloat16), ca, (((1,), (1,))))
        dist = (rsq - 2.0 * zn) + rsq_ref[s]
        mn = jnp.min(dist, axis=1, keepdims=True)
        iot = iot_ref[...]
        idxf = jnp.min(jnp.where(dist == mn, iot, jnp.float32(krvq)), axis=1)
        idx_refs[s][0, 0, :] = idxf.astype(jnp.int32)
        oh = (iot == idxf[:, None]).astype(jnp.bfloat16)
        q = _gather3(oh, ca, cb, cc)
        parts.append(jnp.sum((r - q) ** 2, axis=0, keepdims=True))
        q_st = r + (q - r)
        r = r - q_st
        quant = quant + q_st
    out_ref[...] = _bdot(quant, wo_ref[...], (((1,), (1,)))) + bo_ref[...]
    part_ref[...] = jnp.concatenate(parts, axis=0)[None]


def _rvq_out(h, m, v, g, b, ra, rb, rc, rvqsq, iota_f, wo, bo, tm):
    n, d = h.shape
    nt = n // tm
    nq, krvq, _ = ra.shape
    full3 = lambda i: (0, 0, 0)
    const = lambda i: (0, 0)
    row = lambda i: (i, 0)
    ispec = pl.BlockSpec((1, 1, tm), lambda i: (i, 0, 0))
    rspec = pl.BlockSpec((nq, krvq, d), full3)
    out, i0, i1, i2, i3, parts = pl.pallas_call(
        _rvq_body,
        grid=(nt,),
        in_specs=[
            pl.BlockSpec((tm, d), row),
            pl.BlockSpec((tm, 1), row),
            pl.BlockSpec((tm, 1), row),
            pl.BlockSpec((1, d), const),
            pl.BlockSpec((1, d), const),
            rspec, rspec, rspec,
            pl.BlockSpec((nq, 1, krvq), full3),
            pl.BlockSpec((1, krvq), const),
            pl.BlockSpec((d, d), const),
            pl.BlockSpec((1, d), const),
        ],
        out_specs=[
            pl.BlockSpec((tm, d), row),
            ispec, ispec, ispec, ispec,
            pl.BlockSpec((1, 4, d), lambda i: (i, 0, 0)),
        ],
        out_shape=[
            jax.ShapeDtypeStruct((n, d), jnp.float32),
            jax.ShapeDtypeStruct((nt, 1, tm), jnp.int32),
            jax.ShapeDtypeStruct((nt, 1, tm), jnp.int32),
            jax.ShapeDtypeStruct((nt, 1, tm), jnp.int32),
            jax.ShapeDtypeStruct((nt, 1, tm), jnp.int32),
            jax.ShapeDtypeStruct((nt, 4, d), jnp.float32),
        ],
    )(h, m, v, g.reshape(1, d), b.reshape(1, d), ra, rb, rc, rvqsq, iota_f,
      wo, bo.reshape(1, d))
    res_idx = jnp.stack([i0.reshape(n), i1.reshape(n), i2.reshape(n),
                         i3.reshape(n)], axis=-1)
    return out, res_idx, parts


def kernel(z, sem_codebook, det_codebook, w1, b1, ln1_g, ln1_b, w2, b2,
           ln2_g, ln2_b, rvq_codebooks, w_out, b_out):
    n, d = z.shape
    nq, krvq, _ = rvq_codebooks.shape
    k = sem_codebook.shape[0]
    allcb = jnp.concatenate(
        [sem_codebook, det_codebook, rvq_codebooks.reshape(nq * krvq, d)],
        axis=0)
    allsq = _rowsq(allcb)
    cbsq2 = allsq[:, :2 * k]
    rvq_sq = allsq[:, 2 * k:].reshape(nq, 1, krvq)
    ra, rb, rc = _split3_k(rvq_codebooks.reshape(nq * krvq, d))
    ra = ra.reshape(nq, krvq, d)
    rb = rb.reshape(nq, krvq, d)
    rc = rc.reshape(nq, krvq, d)

    iota_f = jnp.arange(k, dtype=jnp.float32).reshape(1, k)
    cbsn2 = allcb[:2 * k].astype(jnp.bfloat16) * jnp.bfloat16(-2.0)
    sem_idx, det_idx = _vq_argmin2(z, cbsn2, cbsq2, iota_f, 256)
    q_sem = _sc_gather(sem_codebook, sem_idx)
    q_det = _sc_gather(det_codebook, det_idx)

    h1, commit_parts = _mm1(z, q_sem, q_det, w1, b1, 1024)
    m1 = jnp.mean(h1, axis=-1, keepdims=True)
    v1 = jnp.var(h1, axis=-1, keepdims=True)
    h2 = _ln_gelu_mm2(h1, m1, v1, ln1_g, ln1_b, w2, b2, 1024)
    m2 = jnp.mean(h2, axis=-1, keepdims=True)
    v2 = jnp.var(h2, axis=-1, keepdims=True)
    out, res_idx, rvq_parts = _rvq_out(h2, m2, v2, ln2_g, ln2_b, ra, rb, rc,
                                       rvq_sq, iota_f[:, :krvq], w_out,
                                       b_out, 1024)

    csums = jnp.sum(commit_parts, axis=(0, 2))
    rsums = jnp.sum(rvq_parts, axis=(0, 2))
    denom = jnp.float32(n * d)
    vq_loss = (0.25 * csums[0] / denom + 0.375 * csums[1] / denom
               + (rsums[0] + rsums[1] + rsums[2] + rsums[3]) / denom)
    return out, sem_idx, det_idx, res_idx, vq_loss.astype(jnp.float32)

# --- scband reference (transcript-rebuilt; emitter-appended) ---
"""Pipeline reference for scband-neuro-lite-tokenizer-54812372632230 (READ-ONLY COPY).

The authoritative reference and input builder live on the scoring server;
editing this copy changes nothing except your own understanding.
"""

import jax, jax.numpy as jnp
import numpy as np

N = 8192
D = 256
K_SEM = 8192
K_DET = 8192
NQ = 4
K_RVQ = 1024


def _layer_norm(x, g, b, eps=1e-5):
    m = jnp.mean(x, axis=-1, keepdims=True)
    v = jnp.var(x, axis=-1, keepdims=True)
    return (x - m) / jnp.sqrt(v + eps) * g + b


def _vq(z, codebook, cost):
    # squared L2 distances to every code: ||z||^2 - 2 z.e + ||e||^2
    d = jnp.sum(z * z, axis=1, keepdims=True) - 2.0 * (z @ codebook.T) + jnp.sum(codebook * codebook, axis=1)[None, :]
    idx = jnp.argmin(d, axis=1)
    q = jnp.take(codebook, idx, axis=0)
    commit = cost * jnp.mean((z - jax.lax.stop_gradient(q)) ** 2)
    # straight-through estimator
    q_st = z + jax.lax.stop_gradient(q - z)
    return q_st, idx, commit


def _rvq(x, codebooks, weight):
    residual = x
    quant = jnp.zeros_like(x)
    idxs = []
    loss = jnp.asarray(0.0, dtype=x.dtype)
    for i in range(codebooks.shape[0]):
        q_st, idx, l = _vq(residual, codebooks[i], weight)
        residual = residual - q_st
        quant = quant + q_st
        idxs.append(idx)
        loss = loss + l
    return quant, jnp.stack(idxs, axis=-1), loss


def setup_inputs(seed: int = 0) -> dict:
    key = jax.random.key(seed)
    ks = jax.random.split(key, 8)
    return {
        "z": jax.random.normal(ks[0], (N, D), dtype=jnp.float32),
        "sem_codebook": jax.random.normal(ks[1], (K_SEM, D), dtype=jnp.float32) * 0.05,
        "det_codebook": jax.random.normal(ks[2], (K_DET, D), dtype=jnp.float32) * 0.05,
        "w1": jax.random.normal(ks[3], (D, 2 * D), dtype=jnp.float32) * (1.0 / np.sqrt(2 * D)),
        "b1": jnp.zeros((D,), dtype=jnp.float32),
        "ln1_g": jnp.ones((D,), dtype=jnp.float32),
        "ln1_b": jnp.zeros((D,), dtype=jnp.float32),
        "w2": jax.random.normal(ks[4], (D, D), dtype=jnp.float32) * (1.0 / np.sqrt(D)),
        "b2": jnp.zeros((D,), dtype=jnp.float32),
        "ln2_g": jnp.ones((D,), dtype=jnp.float32),
        "ln2_b": jnp.zeros((D,), dtype=jnp.float32),
        "rvq_codebooks": jax.random.normal(ks[5], (NQ, K_RVQ, D), dtype=jnp.float32) * 0.05,
        "w_out": jax.random.normal(ks[6], (D, D), dtype=jnp.float32) * (1.0 / np.sqrt(D)),
        "b_out": jnp.zeros((D,), dtype=jnp.float32),
    }


def reference(z, sem_codebook, det_codebook, w1, b1, ln1_g, ln1_b, w2, b2, ln2_g, ln2_b, rvq_codebooks, w_out, b_out):
    # dual-codebook tokenization of the (pre-aligned) features
    sem_tokens, sem_idx, sem_loss = _vq(z, sem_codebook, 0.25)
    det_tokens, det_idx, det_loss = _vq(z, det_codebook, 0.25 * 1.5)
    # codebook refinement MLP on concatenated tokens
    combined = jnp.concatenate([sem_tokens, det_tokens], axis=-1)
    h = combined @ w1.T + b1
    h = _layer_norm(h, ln1_g, ln1_b)
    h = jax.nn.gelu(h)
    h = h @ w2.T + b2
    refined = _layer_norm(h, ln2_g, ln2_b)
    # residual vector quantization
    quantized, res_idx, res_loss = _rvq(refined, rvq_codebooks, 1.0)
    output_tokens = quantized @ w_out.T + b_out
    vq_loss = sem_loss + det_loss + res_loss
    return output_tokens, sem_idx, det_idx, res_idx, vq_loss

if __name__ == "__main__":
    import jax
    _d = setup_inputs()
    print(jax.jit(kernel)(*tuple(_d.values())))

</pallas_src>

<mosaic_0001>
#map = affine_map<(d0, d1) -> (0, 0)>
module attributes {stable_mosaic.version = 14 : i64} {
  func.func @run(%arg0: i32, %arg1: i32, %arg2: memref<8192x256xf32, #tpu.memory_space<hbm>>, %arg3: memref<1x8192xi32, #tpu.memory_space<hbm>>, %arg4: memref<8192x256xf32, #tpu.memory_space<hbm>>) attributes {dimension_semantics = [#tpu.dimension_semantics<core_parallel>, #tpu.dimension_semantics<subcore_parallel>], iteration_bounds = array<i64: 2, 16>, scalar_prefetch = 0 : i64, scratch_operands = 0 : i64, tpu.core_type = #tpu.core_type<sc_vector_subcore>, window_params = [{transform_indices = #map}, {transform_indices = #map}, {transform_indices = #map}]} {
    %mul3A = arith.constant 1 : i32
    %mul3A_0 = arith.muli %arg1, %mul3A : i32
    %add3A = arith.constant 0 : i32
    %add3A_1 = arith.addi %add3A, %mul3A_0 : i32
    %mul3A_2 = arith.constant 16 : i32
    %mul3A_3 = arith.muli %arg0, %mul3A_2 : i32
    %add3A_4 = arith.addi %add3A_1, %mul3A_3 : i32
    %mul3A_5 = arith.constant 2 : i32
    %mul3A_6 = arith.muli %add3A_4, %mul3A_5 : i32
    "tpu.region"() ({
      %run_scoped3A = memref.alloca() : memref<2x1x128xi32, #tpu.memory_space<vmem>>
      %run_scoped3A_7 = tpu.sem_alloc : memref<2x!tpu.dma_semaphore, #tpu.memory_space<semaphore_mem>>
      %run_scoped3A_8 = memref.alloca() : memref<2x128x256xf32, #tpu.memory_space<vmem>>
      %run_scoped3A_9 = tpu.sem_alloc : memref<2x!tpu.dma_semaphore, #tpu.memory_space<semaphore_mem>>
      %add3A_10 = arith.constant 0 : i32
      %add3A_11 = arith.addi %add3A_10, %mul3A_6 : i32
      %select_n3A = arith.constant true
      %select_n3A_12 = arith.constant 0 : i32
      %select_n3A_13 = arith.constant -1 : i32
      %select_n3A_14 = arith.select %select_n3A, %select_n3A_13, %select_n3A_12 : i32
      %eq3A = arith.constant -1 : i32
      %eq3A_15 = arith.cmpi eq, %select_n3A_14, %eq3A : i32
      %select_n3A_16 = arith.constant 1 : i32
      %select_n3A_17 = arith.select %eq3A_15, %select_n3A_16, %select_n3A_14 : i32
      %add3A_18 = arith.addi %select_n3A_17, %mul3A_6 : i32
      %select_n3A_19 = arith.constant true
      %select_n3A_20 = arith.constant 0 : i32
      %select_n3A_21 = arith.constant 1 : i32
      %select_n3A_22 = arith.select %select_n3A_19, %select_n3A_21, %select_n3A_20 : i32
      %eq3A_23 = arith.constant 2 : i32
      %eq3A_24 = arith.cmpi eq, %select_n3A_22, %eq3A_23 : i32
      %select_n3A_25 = arith.constant 0 : i32
      %select_n3A_26 = arith.select %eq3A_24, %select_n3A_25, %select_n3A_22 : i32
      %add3A_27 = arith.addi %select_n3A_26, %mul3A_6 : i32
      %add3A_28 = arith.constant 1 : i32
      %add3A_29 = arith.addi %select_n3A_26, %add3A_28 : i32
      %select_n3A_30 = arith.constant true
      %select_n3A_31 = arith.select %select_n3A_30, %add3A_29, %select_n3A_26 : i32
      %eq3A_32 = arith.constant 2 : i32
      %eq3A_33 = arith.cmpi eq, %select_n3A_31, %eq3A_32 : i32
      %select_n3A_34 = arith.constant 0 : i32
      %select_n3A_35 = arith.select %eq3A_33, %select_n3A_34, %select_n3A_31 : i32
      %add3A_36 = arith.addi %select_n3A_35, %mul3A_6 : i32
      "tpu.trace_start"() <{level = 10 : i32, message = "ep_initialize_0"}> : () -> ()
      %rem3A = arith.constant 0 : i32
      %rem3A_37 = arith.constant 2 : i32
      %rem3A_38 = arith.remui %rem3A, %rem3A_37 : i32
      %mul3A_39 = arith.constant 128 : i32
      %mul3A_40 = arith.muli %mul3A_39, %add3A_11 : i32
      %dma_start3A = arith.constant 0 : i32
      %dma_start3A_41 = arith.constant 0 : i32
      %dma_start3A_42 = tpu.memref_slice %run_scoped3A[%rem3A_38, %dma_start3A, %dma_start3A_41] : memref<2x1x128xi32, #tpu.memory_space<vmem>> -> memref<1x1x128xi32, #tpu.memory_space<vmem>>
      %dma_start3A_43 = tpu.memref_squeeze %dma_start3A_42 : memref<1x1x128xi32, #tpu.memory_space<vmem>> -> memref<1x128xi32, #tpu.memory_space<vmem>>
      %dma_start3A_44 = arith.constant 0 : i32
      %dma_start3A_45 = tpu.memref_slice %arg3[%dma_start3A_44, %mul3A_40] : memref<1x8192xi32, #tpu.memory_space<hbm>> -> memref<1x128xi32, #tpu.memory_space<hbm>>
      %dma_start3A_46 = tpu.memref_slice %run_scoped3A_7[%rem3A_38] : memref<2x!tpu.dma_semaphore, #tpu.memory_space<semaphore_mem>> -> memref<1x!tpu.dma_semaphore, #tpu.memory_space<semaphore_mem>>
      %dma_start3A_47 = tpu.memref_squeeze %dma_start3A_46 : memref<1x!tpu.dma_semaphore, #tpu.memory_space<semaphore_mem>> -> memref<!tpu.dma_semaphore, #tpu.memory_space<semaphore_mem>>
      %dma_start3A_48 = arith.constant 0 : i32
      %dma_start3A_49 = arith.constant 0 : i32
      %dma_start3A_50 = tpu.memref_slice %run_scoped3A[%rem3A_38, %dma_start3A_48, %dma_start3A_49] : memref<2x1x128xi32, #tpu.memory_space<vmem>> -> memref<1x1x128xi32, #tpu.memory_space<vmem>>
      %dma_start3A_51 = tpu.memref_squeeze %dma_start3A_50 : memref<1x1x128xi32, #tpu.memory_space<vmem>> -> memref<1x128xi32, #tpu.memory_space<vmem>>
      %dma_start3A_52 = arith.constant 0 : i32
      %dma_start3A_53 = tpu.memref_slice %arg3[%dma_start3A_52, %mul3A_40] : memref<1x8192xi32, #tpu.memory_space<hbm>> -> memref<1x128xi32, #tpu.memory_space<hbm>>
      tpu.enqueue_dma source(%dma_start3A_53 : memref<1x128xi32, #tpu.memory_space<hbm>>) target(%dma_start3A_51 : memref<1x128xi32, #tpu.memory_space<vmem>>) target_semaphore(%dma_start3A_47 : memref<!tpu.dma_semaphore, #tpu.memory_space<semaphore_mem>>)
      %add3A_54 = arith.constant 0 : i32
      %add3A_55 = arith.constant 1 : i32
      %add3A_56 = arith.addi %add3A_54, %add3A_55 : i32
      %select_n3A_57 = arith.constant true
      %select_n3A_58 = arith.constant 0 : i32
      %select_n3A_59 = arith.select %select_n3A_57, %add3A_56, %select_n3A_58 : i32
      "tpu.trace_stop"() : () -> ()
      %scan3A = arith.constant 0 : i32
      %scan3A_60 = arith.constant 0 : i32
      %scan3A_61 = arith.constant 0 : i32
      %scan3A_62 = arith.constant 0 : i32
      %scan3A_63 = arith.constant 0 : i32
      %scan3A_64 = arith.constant 2 : i32
      %scan3A_65 = arith.addi %scan3A_63, %scan3A_64 : i32
      %scan3A_66 = arith.constant 1 : i32
      %scan3A_67:5 = scf.for %scan3A_121 = %scan3A_63 to %scan3A_65 step %scan3A_66 iter_args(%scan3A_122 = %select_n3A_59, %scan3A_123 = %scan3A, %scan3A_124 = %scan3A_60, %scan3A_125 = %scan3A_61, %scan3A_126 = %scan3A_62) -> (i32, i32, i32, i32, i32)  : i32 {
        %eq3A_127 = arith.constant 0 : i32
        %eq3A_128 = arith.cmpi eq, %scan3A_121, %eq3A_127 : i32
        %eq3A_129 = arith.constant 1 : i32
        %eq3A_130 = arith.cmpi eq, %scan3A_121, %eq3A_129 : i32
        %add3A_131 = arith.addi %scan3A_126, %mul3A_6 : i32
        %sub3A_132 = arith.constant 1 : i32
        %sub3A_133 = arith.subi %scan3A_126, %sub3A_132 : i32
        %select_n3A_134 = arith.constant true
        %select_n3A_135 = arith.select %select_n3A_134, %sub3A_133, %scan3A_126 : i32
        %eq3A_136 = arith.constant -1 : i32
        %eq3A_137 = arith.cmpi eq, %select_n3A_135, %eq3A_136 : i32
        %select_n3A_138 = arith.constant 1 : i32
        %select_n3A_139 = arith.select %eq3A_137, %select_n3A_138, %select_n3A_135 : i32
        %add3A_140 = arith.addi %select_n3A_139, %mul3A_6 : i32
        %add3A_141 = arith.constant 1 : i32
        %add3A_142 = arith.addi %scan3A_126, %add3A_141 : i32
        %select_n3A_143 = arith.constant true
        %select_n3A_144 = arith.select %select_n3A_143, %add3A_142, %scan3A_126 : i32
        %eq3A_145 = arith.constant 2 : i32
        %eq3A_146 = arith.cmpi eq, %select_n3A_144, %eq3A_145 : i32
        %select_n3A_147 = arith.constant 0 : i32
        %select_n3A_148 = arith.select %eq3A_146, %select_n3A_147, %select_n3A_144 : i32
        %add3A_149 = arith.addi %select_n3A_148, %mul3A_6 : i32
        %add3A_150 = arith.constant 1 : i32
        %add3A_151 = arith.addi %select_n3A_148, %add3A_150 : i32
        %select_n3A_152 = arith.constant true
        %select_n3A_153 = arith.select %select_n3A_152, %add3A_151, %select_n3A_148 : i32
        %eq3A_154 = arith.constant 2 : i32
        %eq3A_155 = arith.cmpi eq, %select_n3A_153, %eq3A_154 : i32
        %select_n3A_156 = arith.constant 0 : i32
        %select_n3A_157 = arith.select %eq3A_155, %select_n3A_156, %select_n3A_153 : i32
        %add3A_158 = arith.addi %select_n3A_157, %mul3A_6 : i32
        %ne3A = arith.cmpi ne, %add3A_131, %add3A_149 : i32
        %or3A = arith.constant false
        %or3A_159 = arith.ori %or3A, %ne3A : i1
        %ge3A = arith.constant 1 : i32
        %ge3A_160 = arith.cmpi sge, %scan3A_121, %ge3A : i32
        %not3A = arith.constant true
        %not3A_161 = arith.xori %ge3A_160, %not3A : i1
        %and3A = arith.andi %or3A_159, %not3A_161 : i1
        %convert_element_type3A = arith.extui %and3A : i1 to i32
        %cond3A = arith.constant 0 : i32
        %cond3A_162 = arith.cmpi ne, %convert_element_type3A, %cond3A : i32
        scf.if %cond3A_162 {
          "tpu.trace_start"() <{level = 10 : i32, message = "ep_copy_in"}> : () -> ()
          %rem3A_264 = arith.constant 2 : i32
          %rem3A_265 = arith.remui %scan3A_122, %rem3A_264 : i32
          %mul3A_266 = arith.constant 128 : i32
          %mul3A_267 = arith.muli %mul3A_266, %add3A_149 : i32
          %dma_start3A_268 = arith.constant 0 : i32
          %dma_start3A_269 = arith.constant 0 : i32
          %dma_start3A_270 = tpu.memref_slice %run_scoped3A[%rem3A_265, %dma_start3A_268, %dma_start3A_269] : memref<2x1x128xi32, #tpu.memory_space<vmem>> -> memref<1x1x128xi32, #tpu.memory_space<vmem>>
          %dma_start3A_271 = tpu.memref_squeeze %dma_start3A_270 : memref<1x1x128xi32, #tpu.memory_space<vmem>> -> memref<1x128xi32, #tpu.memory_space<vmem>>
          %dma_start3A_272 = arith.constant 0 : i32
          %dma_start3A_273 = tpu.memref_slice %arg3[%dma_start3A_272, %mul3A_267] : memref<1x8192xi32, #tpu.memory_space<hbm>> -> memref<1x128xi32, #tpu.memory_space<hbm>>
          %dma_start3A_274 = tpu.memref_slice %run_scoped3A_7[%rem3A_265] : memref<2x!tpu.dma_semaphore, #tpu.memory_space<semaphore_mem>> -> memref<1x!tpu.dma_semaphore, #tpu.memory_space<semaphore_mem>>
          %dma_start3A_275 = tpu.memref_squeeze %dma_start3A_274 : memref<1x!tpu.dma_semaphore, #tpu.memory_space<semaphore_mem>> -> memref<!tpu.dma_semaphore, #tpu.memory_space<semaphore_mem>>
          %dma_start3A_276 = arith.constant 0 : i32
          %dma_start3A_277 = arith.constant 0 : i32
          %dma_start3A_278 = tpu.memref_slice %run_scoped3A[%rem3A_265, %dma_start3A_276, %dma_start3A_277] : memref<2x1x128xi32, #tpu.memory_space<vmem>> -> memref<1x1x128xi32, #tpu.memory_space<vmem>>
          %dma_start3A_279 = tpu.memref_squeeze %dma_start3A_278 : memref<1x1x128xi32, #tpu.memory_space<vmem>> -> memref<1x128xi32, #tpu.memory_space<vmem>>
          %dma_start3A_280 = arith.constant 0 : i32
          %dma_start3A_281 = tpu.memref_slice %arg3[%dma_start3A_280, %mul3A_267] : memref<1x8192xi32, #tpu.memory_space<hbm>> -> memref<1x128xi32, #tpu.memory_space<hbm>>
          tpu.enqueue_dma source(%dma_start3A_281 : memref<1x128xi32, #tpu.memory_space<hbm>>) target(%dma_start3A_279 : memref<1x128xi32, #tpu.memory_space<vmem>>) target_semaphore(%dma_start3A_275 : memref<!tpu.dma_semaphore, #tpu.memory_space<semaphore_mem>>)
          "tpu.trace_stop"() : () -> ()
        } else {
        }
        %and3A_163 = arith.constant true
        %and3A_164 = arith.andi %and3A, %and3A_163 : i1
        %add3A_165 = arith.constant 1 : i32
        %add3A_166 = arith.addi %scan3A_122, %add3A_165 : i32
        %select_n3A_167 = arith.select %and3A_164, %add3A_166, %scan3A_122 : i32
        %ne3A_168 = arith.cmpi ne, %add3A_131, %add3A_149 : i32
        %or3A_169 = arith.constant false
        %or3A_170 = arith.ori %or3A_169, %ne3A_168 : i1
        %or3A_171 = arith.constant false
        %or3A_172 = arith.ori %or3A_170, %or3A_171 : i1
        %ge3A_173 = arith.constant 1 : i32
        %ge3A_174 = arith.cmpi sge, %scan3A_121, %ge3A_173 : i32
        %not3A_175 = arith.constant true
        %not3A_176 = arith.xori %ge3A_174, %not3A_175 : i1
        %and3A_177 = arith.andi %or3A_172, %not3A_176 : i1
        %ne3A_178 = arith.cmpi ne, %add3A_131, %add3A_140 : i32
        %or3A_179 = arith.constant false
        %or3A_180 = arith.ori %or3A_179, %ne3A_178 : i1
        %or3A_181 = arith.ori %or3A_180, %eq3A_128 : i1
        %convert_element_type3A_182 = arith.extui %or3A_181 : i1 to i32
        %cond3A_183 = arith.constant 0 : i32
        %cond3A_184 = arith.cmpi ne, %convert_element_type3A_182, %cond3A_183 : i32
        scf.if %cond3A_184 {
          "tpu.trace_start"() <{level = 10 : i32, message = "ep_wait_in"}> : () -> ()
          %mul3A_264 = arith.constant 128 : i32
          %mul3A_265 = arith.muli %mul3A_264, %add3A_131 : i32
          %rem3A_266 = arith.constant 2 : i32
          %rem3A_267 = arith.remui %scan3A_123, %rem3A_266 : i32
          %dma_wait3A_268 = arith.constant 0 : i32
          %dma_wait3A_269 = arith.constant 0 : i32
          %dma_wait3A_270 = tpu.memref_slice %run_scoped3A[%rem3A_267, %dma_wait3A_268, %dma_wait3A_269] : memref<2x1x128xi32, #tpu.memory_space<vmem>> -> memref<1x1x128xi32, #tpu.memory_space<vmem>>
          %dma_wait3A_271 = tpu.memref_squeeze %dma_wait3A_270 : memref<1x1x128xi32, #tpu.memory_space<vmem>> -> memref<1x128xi32, #tpu.memory_space<vmem>>
          %dma_wait3A_272 = arith.constant 0 : i32
          %dma_wait3A_273 = tpu.memref_slice %arg3[%dma_wait3A_272, %mul3A_265] : memref<1x8192xi32, #tpu.memory_space<hbm>> -> memref<1x128xi32, #tpu.memory_space<hbm>>
          %dma_wait3A_274 = tpu.memref_slice %run_scoped3A_7[%rem3A_267] : memref<2x!tpu.dma_semaphore, #tpu.memory_space<semaphore_mem>> -> memref<1x!tpu.dma_semaphore, #tpu.memory_space<semaphore_mem>>
          %dma_wait3A_275 = tpu.memref_squeeze %dma_wait3A_274 : memref<1x!tpu.dma_semaphore, #tpu.memory_space<semaphore_mem>> -> memref<!tpu.dma_semaphore, #tpu.memory_space<semaphore_mem>>
          %dma_wait3A_276 = arith.constant 0 : i32
          %dma_wait3A_277 = arith.constant 0 : i32
          %dma_wait3A_278 = tpu.memref_slice %run_scoped3A[%rem3A_267, %dma_wait3A_276, %dma_wait3A_277] : memref<2x1x128xi32, #tpu.memory_space<vmem>> -> memref<1x1x128xi32, #tpu.memory_space<vmem>>
          %dma_wait3A_279 = tpu.memref_squeeze %dma_wait3A_278 : memref<1x1x128xi32, #tpu.memory_space<vmem>> -> memref<1x128xi32, #tpu.memory_space<vmem>>
          %dma_wait3A_280 = arith.constant 0 : i32
          %dma_wait3A_281 = tpu.memref_slice %arg3[%dma_wait3A_280, %mul3A_265] : memref<1x8192xi32, #tpu.memory_space<hbm>> -> memref<1x128xi32, #tpu.memory_space<hbm>>
          tpu.wait_dma2 semaphore(%dma_wait3A_275 : memref<!tpu.dma_semaphore, #tpu.memory_space<semaphore_mem>>) src(%dma_wait3A_281 : memref<1x128xi32, #tpu.memory_space<hbm>>) dst(%dma_wait3A_279 : memref<1x128xi32, #tpu.memory_space<vmem>>)
          "tpu.trace_stop"() : () -> ()
        } else {
        }
        %ne3A_185 = arith.cmpi ne, %add3A_131, %add3A_140 : i32
        %or3A_186 = arith.constant false
        %or3A_187 = arith.ori %or3A_186, %ne3A_185 : i1
        %or3A_188 = arith.constant false
        %or3A_189 = arith.ori %or3A_187, %or3A_188 : i1
        %or3A_190 = arith.ori %or3A_189, %eq3A_128 : i1
        %convert_element_type3A_191 = arith.extui %or3A_190 : i1 to i32
        %cond3A_192 = arith.constant 0 : i32
        %cond3A_193 = arith.cmpi ne, %convert_element_type3A_191, %cond3A_192 : i32
        scf.if %cond3A_193 {
        } else {
        }
        %rem3A_194 = arith.constant 2 : i32
        %rem3A_195 = arith.remui %scan3A_123, %rem3A_194 : i32
        %rem3A_196 = arith.constant 2 : i32
        %rem3A_197 = arith.remui %scan3A_124, %rem3A_196 : i32
        %run_scoped3A_198 = arith.constant 0 : i32
        "tpu.trace_start"() <{level = 10 : i32, message = "ep_run_kernel"}> : () -> ()
        "tpu.region"() ({
          %run_scoped3A_264 = tpu.sem_alloc : memref<!tpu.dma_semaphore, #tpu.memory_space<semaphore_mem>>
          %dma_start3A_265 = arith.constant 0 : i32
          %dma_start3A_266 = arith.constant 0 : i32
          %dma_start3A_267 = tpu.memref_slice %run_scoped3A_8[%rem3A_197, %dma_start3A_265, %dma_start3A_266] : memref<2x128x256xf32, #tpu.memory_space<vmem>> -> memref<1x128x256xf32, #tpu.memory_space<vmem>>
          %dma_start3A_268 = tpu.memref_squeeze %dma_start3A_267 : memref<1x128x256xf32, #tpu.memory_space<vmem>> -> memref<128x256xf32, #tpu.memory_space<vmem>>
          %dma_start3A_269 = arith.constant 0 : i32
          %dma_start3A_270 = arith.constant 0 : i32
          %dma_start3A_271 = tpu.memref_slice %run_scoped3A[%rem3A_195, %dma_start3A_269, %dma_start3A_270] : memref<2x1x128xi32, #tpu.memory_space<vmem>> -> memref<1x1x128xi32, #tpu.memory_space<vmem>>
          %dma_start3A_272 = tpu.memref_squeeze %dma_start3A_271 : memref<1x1x128xi32, #tpu.memory_space<vmem>> -> memref<1x128xi32, #tpu.memory_space<vmem>>
          %dma_start3A_273 = arith.constant 0 : i32
          %dma_start3A_274 = tpu.memref_slice %dma_start3A_272[%run_scoped3A_198, %dma_start3A_273] : memref<1x128xi32, #tpu.memory_space<vmem>> -> memref<1x128xi32, #tpu.memory_space<vmem>>
          %dma_start3A_275 = tpu.memref_squeeze %dma_start3A_274 : memref<1x128xi32, #tpu.memory_space<vmem>> -> memref<128xi32, #tpu.memory_space<vmem>>
          %dma_start3A_276 = arith.constant 0 : i32
          %dma_start3A_277 = arith.constant 0 : i32
          %dma_start3A_278 = tpu.memref_slice %arg2[%dma_start3A_276, %dma_start3A_277] : memref<8192x256xf32, #tpu.memory_space<hbm>> -> memref<8192x256xf32, #tpu.memory_space<hbm>>
          tpu.enqueue_indirect_dma source(%dma_start3A_278 : memref<8192x256xf32, #tpu.memory_space<hbm>>) target(%dma_start3A_268 : memref<128x256xf32, #tpu.memory_space<vmem>>) offsets(%dma_start3A_275 : memref<128xi32, #tpu.memory_space<vmem>>) semaphore(%run_scoped3A_264 : memref<!tpu.dma_semaphore, #tpu.memory_space<semaphore_mem>>)
          %dma_wait3A_279 = arith.constant 0 : i32
          %dma_wait3A_280 = arith.constant 0 : i32
          %dma_wait3A_281 = tpu.memref_slice %run_scoped3A_8[%rem3A_197, %dma_wait3A_279, %dma_wait3A_280] : memref<2x128x256xf32, #tpu.memory_space<vmem>> -> memref<1x128x256xf32, #tpu.memory_space<vmem>>
          %dma_wait3A_282 = tpu.memref_squeeze %dma_wait3A_281 : memref<1x128x256xf32, #tpu.memory_space<vmem>> -> memref<128x256xf32, #tpu.memory_space<vmem>>
          %dma_wait3A_283 = arith.constant 0 : i32
          %dma_wait3A_284 = arith.constant 0 : i32
          %dma_wait3A_285 = tpu.memref_slice %run_scoped3A[%rem3A_195, %dma_wait3A_283, %dma_wait3A_284] : memref<2x1x128xi32, #tpu.memory_space<vmem>> -> memref<1x1x128xi32, #tpu.memory_space<vmem>>
          %dma_wait3A_286 = tpu.memref_squeeze %dma_wait3A_285 : memref<1x1x128xi32, #tpu.memory_space<vmem>> -> memref<1x128xi32, #tpu.memory_space<vmem>>
          %dma_wait3A_287 = arith.constant 0 : i32
          %dma_wait3A_288 = tpu.memref_slice %dma_wait3A_286[%run_scoped3A_198, %dma_wait3A_287] : memref<1x128xi32, #tpu.memory_space<vmem>> -> memref<1x128xi32, #tpu.memory_space<vmem>>
          %dma_wait3A_289 = tpu.memref_squeeze %dma_wait3A_288 : memref<1x128xi32, #tpu.memory_space<vmem>> -> memref<128xi32, #tpu.memory_space<vmem>>
          %dma_wait3A_290 = arith.constant 0 : i32
          %dma_wait3A_291 = arith.constant 0 : i32
          %dma_wait3A_292 = tpu.memref_slice %arg2[%dma_wait3A_290, %dma_wait3A_291] : memref<8192x256xf32, #tpu.memory_space<hbm>> -> memref<8192x256xf32, #tpu.memory_space<hbm>>
          tpu.wait_indirect_dma semaphore(%run_scoped3A_264 : memref<!tpu.dma_semaphore, #tpu.memory_space<semaphore_mem>>) src(%dma_wait3A_292 : memref<8192x256xf32, #tpu.memory_space<hbm>>) dst(%dma_wait3A_282 : memref<128x256xf32, #tpu.memory_space<vmem>>)
          tpu.yield
        }) : () -> ()
        "tpu.trace_stop"() : () -> ()
        %ne3A_199 = arith.cmpi ne, %add3A_131, %add3A_149 : i32
        %or3A_200 = arith.constant false
        %or3A_201 = arith.ori %or3A_200, %ne3A_199 : i1
        %or3A_202 = arith.ori %or3A_201, %eq3A_130 : i1
        %convert_element_type3A_203 = arith.extui %or3A_202 : i1 to i32
        %cond3A_204 = arith.constant 0 : i32
        %cond3A_205 = arith.cmpi ne, %convert_element_type3A_203, %cond3A_204 : i32
        scf.if %cond3A_205 {
        } else {
        }
        %and3A_206 = arith.constant false
        %and3A_207 = arith.andi %or3A_202, %and3A_206 : i1
        %ne3A_208 = arith.cmpi ne, %add3A_131, %add3A_149 : i32
        %or3A_209 = arith.constant false
        %or3A_210 = arith.ori %or3A_209, %ne3A_208 : i1
        %or3A_211 = arith.constant false
        %or3A_212 = arith.ori %or3A_210, %or3A_211 : i1
        %or3A_213 = arith.ori %or3A_212, %eq3A_130 : i1
        %convert_element_type3A_214 = arith.extui %or3A_213 : i1 to i32
        %cond3A_215 = arith.constant 0 : i32
        %cond3A_216 = arith.cmpi ne, %convert_element_type3A_214, %cond3A_215 : i32
        scf.if %cond3A_216 {
          "tpu.trace_start"() <{level = 10 : i32, message = "ep_copy_out"}> : () -> ()
          %rem3A_264 = arith.constant 2 : i32
          %rem3A_265 = arith.remui %scan3A_124, %rem3A_264 : i32
          %mul3A_266 = arith.constant 128 : i32
          %mul3A_267 = arith.muli %mul3A_266, %add3A_131 : i32
          %dma_start3A_268 = arith.constant 0 : i32
          %dma_start3A_269 = arith.constant 0 : i32
          %dma_start3A_270 = tpu.memref_slice %run_scoped3A_8[%rem3A_265, %dma_start3A_268, %dma_start3A_269] : memref<2x128x256xf32, #tpu.memory_space<vmem>> -> memref<1x128x256xf32, #tpu.memory_space<vmem>>
          %dma_start3A_271 = tpu.memref_squeeze %dma_start3A_270 : memref<1x128x256xf32, #tpu.memory_space<vmem>> -> memref<128x256xf32, #tpu.memory_space<vmem>>
          %dma_start3A_272 = arith.constant 0 : i32
          %dma_start3A_273 = tpu.memref_slice %arg4[%mul3A_267, %dma_start3A_272] : memref<8192x256xf32, #tpu.memory_space<hbm>> -> memref<128x256xf32, #tpu.memory_space<hbm>>
          %dma_start3A_274 = tpu.memref_slice %run_scoped3A_9[%rem3A_265] : memref<2x!tpu.dma_semaphore, #tpu.memory_space<semaphore_mem>> -> memref<1x!tpu.dma_semaphore, #tpu.memory_space<semaphore_mem>>
          %dma_start3A_275 = tpu.memref_squeeze %dma_start3A_274 : memref<1x!tpu.dma_semaphore, #tpu.memory_space<semaphore_mem>> -> memref<!tpu.dma_semaphore, #tpu.memory_space<semaphore_mem>>
          %dma_start3A_276 = arith.constant 0 : i32
          %dma_start3A_277 = tpu.memref_slice %arg4[%mul3A_267, %dma_start3A_276] : memref<8192x256xf32, #tpu.memory_space<hbm>> -> memref<128x256xf32, #tpu.memory_space<hbm>>
          %dma_start3A_278 = arith.constant 0 : i32
          %dma_start3A_279 = arith.constant 0 : i32
          %dma_start3A_280 = tpu.memref_slice %run_scoped3A_8[%rem3A_265, %dma_start3A_278, %dma_start3A_279] : memref<2x128x256xf32, #tpu.memory_space<vmem>> -> memref<1x128x256xf32, #tpu.memory_space<vmem>>
          %dma_start3A_281 = tpu.memref_squeeze %dma_start3A_280 : memref<1x128x256xf32, #tpu.memory_space<vmem>> -> memref<128x256xf32, #tpu.memory_space<vmem>>
          tpu.enqueue_dma source(%dma_start3A_281 : memref<128x256xf32, #tpu.memory_space<vmem>>) target(%dma_start3A_277 : memref<128x256xf32, #tpu.memory_space<hbm>>) target_semaphore(%dma_start3A_275 : memref<!tpu.dma_semaphore, #tpu.memory_space<semaphore_mem>>)
          "tpu.trace_stop"() : () -> ()
        } else {
        }
        %and3A_217 = arith.constant true
        %and3A_218 = arith.andi %or3A_213, %and3A_217 : i1
        %add3A_219 = arith.constant 1 : i32
        %add3A_220 = arith.addi %scan3A_124, %add3A_219 : i32
        %select_n3A_221 = arith.select %and3A_218, %add3A_220, %scan3A_124 : i32
        %ne3A_222 = arith.cmpi ne, %add3A_131, %add3A_140 : i32
        %or3A_223 = arith.constant false
        %or3A_224 = arith.ori %or3A_223, %ne3A_222 : i1
        %not3A_225 = arith.constant true
        %not3A_226 = arith.xori %eq3A_128, %not3A_225 : i1
        %and3A_227 = arith.andi %or3A_224, %not3A_226 : i1
        %convert_element_type3A_228 = arith.extui %and3A_227 : i1 to i32
        %cond3A_229 = arith.constant 0 : i32
        %cond3A_230 = arith.cmpi ne, %convert_element_type3A_228, %cond3A_229 : i32
        scf.if %cond3A_230 {
        } else {
        }
        %and3A_231 = arith.constant false
        %and3A_232 = arith.andi %and3A_227, %and3A_231 : i1
        %ne3A_233 = arith.cmpi ne, %add3A_131, %add3A_140 : i32
        %or3A_234 = arith.constant false
        %or3A_235 = arith.ori %or3A_234, %ne3A_233 : i1
        %or3A_236 = arith.constant false
        %or3A_237 = arith.ori %or3A_235, %or3A_236 : i1
        %not3A_238 = arith.constant true
        %not3A_239 = arith.xori %eq3A_128, %not3A_238 : i1
        %and3A_240 = arith.andi %or3A_237, %not3A_239 : i1
        %convert_element_type3A_241 = arith.extui %and3A_240 : i1 to i32
        %cond3A_242 = arith.constant 0 : i32
        %cond3A_243 = arith.cmpi ne, %convert_element_type3A_241, %cond3A_242 : i32
        scf.if %cond3A_243 {
          "tpu.trace_start"() <{level = 10 : i32, message = "ep_wait_out"}> : () -> ()
          %rem3A_264 = arith.constant 2 : i32
          %rem3A_265 = arith.remui %scan3A_125, %rem3A_264 : i32
          %mul3A_266 = arith.constant 128 : i32
          %mul3A_267 = arith.muli %mul3A_266, %add3A_140 : i32
          %dma_wait3A_268 = arith.constant 0 : i32
          %dma_wait3A_269 = arith.constant 0 : i32
          %dma_wait3A_270 = tpu.memref_slice %run_scoped3A_8[%rem3A_265, %dma_wait3A_268, %dma_wait3A_269] : memref<2x128x256xf32, #tpu.memory_space<vmem>> -> memref<1x128x256xf32, #tpu.memory_space<vmem>>
          %dma_wait3A_271 = tpu.memref_squeeze %dma_wait3A_270 : memref<1x128x256xf32, #tpu.memory_space<vmem>> -> memref<128x256xf32, #tpu.memory_space<vmem>>
          %dma_wait3A_272 = arith.constant 0 : i32
          %dma_wait3A_273 = tpu.memref_slice %arg4[%mul3A_267, %dma_wait3A_272] : memref<8192x256xf32, #tpu.memory_space<hbm>> -> memref<128x256xf32, #tpu.memory_space<hbm>>
          %dma_wait3A_274 = tpu.memref_slice %run_scoped3A_9[%rem3A_265] : memref<2x!tpu.dma_semaphore, #tpu.memory_space<semaphore_mem>> -> memref<1x!tpu.dma_semaphore, #tpu.memory_space<semaphore_mem>>
          %dma_wait3A_275 = tpu.memref_squeeze %dma_wait3A_274 : memref<1x!tpu.dma_semaphore, #tpu.memory_space<semaphore_mem>> -> memref<!tpu.dma_semaphore, #tpu.memory_space<semaphore_mem>>
          %dma_wait3A_276 = arith.constant 0 : i32
          %dma_wait3A_277 = tpu.memref_slice %arg4[%mul3A_267, %dma_wait3A_276] : memref<8192x256xf32, #tpu.memory_space<hbm>> -> memref<128x256xf32, #tpu.memory_space<hbm>>
          %dma_wait3A_278 = arith.constant 0 : i32
          %dma_wait3A_279 = arith.constant 0 : i32
          %dma_wait3A_280 = tpu.memref_slice %run_scoped3A_8[%rem3A_265, %dma_wait3A_278, %dma_wait3A_279] : memref<2x128x256xf32, #tpu.memory_space<vmem>> -> memref<1x128x256xf32, #tpu.memory_space<vmem>>
          %dma_wait3A_281 = tpu.memref_squeeze %dma_wait3A_280 : memref<1x128x256xf32, #tpu.memory_space<vmem>> -> memref<128x256xf32, #tpu.memory_space<vmem>>
          tpu.wait_dma2 semaphore(%dma_wait3A_275 : memref<!tpu.dma_semaphore, #tpu.memory_space<semaphore_mem>>) src(%dma_wait3A_281 : memref<128x256xf32, #tpu.memory_space<vmem>>) dst(%dma_wait3A_277 : memref<128x256xf32, #tpu.memory_space<hbm>>)
          "tpu.trace_stop"() : () -> ()
        } else {
        }
        %and3A_244 = arith.constant true
        %and3A_245 = arith.andi %and3A_240, %and3A_244 : i1
        %add3A_246 = arith.constant 1 : i32
        %add3A_247 = arith.addi %scan3A_125, %add3A_246 : i32
        %select_n3A_248 = arith.select %and3A_245, %add3A_247, %scan3A_125 : i32
        %ne3A_249 = arith.cmpi ne, %add3A_131, %add3A_149 : i32
        %or3A_250 = arith.constant false
        %or3A_251 = arith.ori %or3A_250, %ne3A_249 : i1
        %or3A_252 = arith.ori %or3A_251, %eq3A_130 : i1
        %add3A_253 = arith.constant 1 : i32
        %add3A_254 = arith.addi %scan3A_123, %add3A_253 : i32
        %select_n3A_255 = arith.select %or3A_252, %add3A_254, %scan3A_123 : i32
        %add3A_256 = arith.constant 1 : i32
        %add3A_257 = arith.addi %scan3A_126, %add3A_256 : i32
        %select_n3A_258 = arith.constant true
        %select_n3A_259 = arith.select %select_n3A_258, %add3A_257, %scan3A_126 : i32
        %eq3A_260 = arith.constant 2 : i32
        %eq3A_261 = arith.cmpi eq, %select_n3A_259, %eq3A_260 : i32
        %select_n3A_262 = arith.constant 0 : i32
        %select_n3A_263 = arith.select %eq3A_261, %select_n3A_262, %select_n3A_259 : i32
        scf.yield %select_n3A_167, %select_n3A_255, %select_n3A_221, %select_n3A_248, %select_n3A_263 : i32, i32, i32, i32, i32
      }
      %scan3A_68 = arith.constant 2 : i32
      %sub3A = arith.constant 1 : i32
      %sub3A_69 = arith.subi %scan3A_67#4, %sub3A : i32
      %select_n3A_70 = arith.constant true
      %select_n3A_71 = arith.select %select_n3A_70, %sub3A_69, %scan3A_67#4 : i32
      %eq3A_72 = arith.constant -1 : i32
      %eq3A_73 = arith.cmpi eq, %select_n3A_71, %eq3A_72 : i32
      %select_n3A_74 = arith.constant 1 : i32
      %select_n3A_75 = arith.select %eq3A_73, %select_n3A_74, %select_n3A_71 : i32
      %add3A_76 = arith.addi %select_n3A_75, %mul3A_6 : i32
      %sub3A_77 = arith.constant 1 : i32
      %sub3A_78 = arith.subi %select_n3A_75, %sub3A_77 : i32
      %select_n3A_79 = arith.constant true
      %select_n3A_80 = arith.select %select_n3A_79, %sub3A_78, %select_n3A_75 : i32
      %eq3A_81 = arith.constant -1 : i32
      %eq3A_82 = arith.cmpi eq, %select_n3A_80, %eq3A_81 : i32
      %select_n3A_83 = arith.constant 1 : i32
      %select_n3A_84 = arith.select %eq3A_82, %select_n3A_83, %select_n3A_80 : i32
      %add3A_85 = arith.addi %select_n3A_84, %mul3A_6 : i32
      %add3A_86 = arith.constant 1 : i32
      %add3A_87 = arith.addi %select_n3A_75, %add3A_86 : i32
      %select_n3A_88 = arith.constant true
      %select_n3A_89 = arith.select %select_n3A_88, %add3A_87, %select_n3A_75 : i32
      %eq3A_90 = arith.constant 2 : i32
      %eq3A_91 = arith.cmpi eq, %select_n3A_89, %eq3A_90 : i32
      %select_n3A_92 = arith.constant 0 : i32
      %select_n3A_93 = arith.select %eq3A_91, %select_n3A_92, %select_n3A_89 : i32
      %add3A_94 = arith.addi %select_n3A_93, %mul3A_6 : i32
      %add3A_95 = arith.constant 1 : i32
      %add3A_96 = arith.addi %select_n3A_93, %add3A_95 : i32
      %select_n3A_97 = arith.constant true
      %select_n3A_98 = arith.select %select_n3A_97, %add3A_96, %select_n3A_93 : i32
      %eq3A_99 = arith.constant 2 : i32
      %eq3A_100 = arith.cmpi eq, %select_n3A_98, %eq3A_99 : i32
      %select_n3A_101 = arith.constant 0 : i32
      %select_n3A_102 = arith.select %eq3A_100, %select_n3A_101, %select_n3A_98 : i32
      %add3A_103 = arith.addi %select_n3A_102, %mul3A_6 : i32
      "tpu.trace_start"() <{level = 10 : i32, message = "ep_finalize"}> : () -> ()
      %rem3A_104 = arith.constant 2 : i32
      %rem3A_105 = arith.remui %scan3A_67#3, %rem3A_104 : i32
      %mul3A_106 = arith.constant 128 : i32
      %mul3A_107 = arith.muli %mul3A_106, %add3A_76 : i32
      %dma_wait3A = arith.constant 0 : i32
      %dma_wait3A_108 = arith.constant 0 : i32
      %dma_wait3A_109 = tpu.memref_slice %run_scoped3A_8[%rem3A_105, %dma_wait3A, %dma_wait3A_108] : memref<2x128x256xf32, #tpu.memory_space<vmem>> -> memref<1x128x256xf32, #tpu.memory_space<vmem>>
      %dma_wait3A_110 = tpu.memref_squeeze %dma_wait3A_109 : memref<1x128x256xf32, #tpu.memory_space<vmem>> -> memref<128x256xf32, #tpu.memory_space<vmem>>
      %dma_wait3A_111 = arith.constant 0 : i32
      %dma_wait3A_112 = tpu.memref_slice %arg4[%mul3A_107, %dma_wait3A_111] : memref<8192x256xf32, #tpu.memory_space<hbm>> -> memref<128x256xf32, #tpu.memory_space<hbm>>
      %dma_wait3A_113 = tpu.memref_slice %run_scoped3A_9[%rem3A_105] : memref<2x!tpu.dma_semaphore, #tpu.memory_space<semaphore_mem>> -> memref<1x!tpu.dma_semaphore, #tpu.memory_space<semaphore_mem>>
      %dma_wait3A_114 = tpu.memref_squeeze %dma_wait3A_113 : memref<1x!tpu.dma_semaphore, #tpu.memory_space<semaphore_mem>> -> memref<!tpu.dma_semaphore, #tpu.memory_space<semaphore_mem>>
      %dma_wait3A_115 = arith.constant 0 : i32
      %dma_wait3A_116 = tpu.memref_slice %arg4[%mul3A_107, %dma_wait3A_115] : memref<8192x256xf32, #tpu.memory_space<hbm>> -> memref<128x256xf32, #tpu.memory_space<hbm>>
      %dma_wait3A_117 = arith.constant 0 : i32
      %dma_wait3A_118 = arith.constant 0 : i32
      %dma_wait3A_119 = tpu.memref_slice %run_scoped3A_8[%rem3A_105, %dma_wait3A_117, %dma_wait3A_118] : memref<2x128x256xf32, #tpu.memory_space<vmem>> -> memref<1x128x256xf32, #tpu.memory_space<vmem>>
      %dma_wait3A_120 = tpu.memref_squeeze %dma_wait3A_119 : memref<1x128x256xf32, #tpu.memory_space<vmem>> -> memref<128x256xf32, #tpu.memory_space<vmem>>
      tpu.wait_dma2 semaphore(%dma_wait3A_114 : memref<!tpu.dma_semaphore, #tpu.memory_space<semaphore_mem>>) src(%dma_wait3A_120 : memref<128x256xf32, #tpu.memory_space<vmem>>) dst(%dma_wait3A_116 : memref<128x256xf32, #tpu.memory_space<hbm>>)
      "tpu.trace_stop"() : () -> ()
      tpu.yield
    }) : () -> ()
    return
  }
}

#map = affine_map<(d0, d1) -> (0, 0)>
module attributes {stable_mosaic.version = 14 : i64} {
  func.func @run(%arg0: i32, %arg1: i32, %arg2: memref<8192x256xf32, #tpu.memory_space<hbm>>, %arg3: memref<1x8192xi32, #tpu.memory_space<hbm>>, %arg4: memref<8192x256xf32, #tpu.memory_space<hbm>>) attributes {dimension_semantics = [#tpu.dimension_semantics<core_parallel>, #tpu.dimension_semantics<subcore_parallel>], iteration_bounds = array<i64: 2, 16>, scalar_prefetch = 0 : i64, scratch_operands = 0 : i64, tpu.core_type = #tpu.core_type<sc_vector_subcore>, window_params = [{transform_indices = #map}, {transform_indices = #map}, {transform_indices = #map}]} {
    %mul3A = arith.constant 1 : i32
    %mul3A_0 = arith.muli %arg1, %mul3A : i32
    %add3A = arith.constant 0 : i32
    %add3A_1 = arith.addi %add3A, %mul3A_0 : i32
    %mul3A_2 = arith.constant 16 : i32
    %mul3A_3 = arith.muli %arg0, %mul3A_2 : i32
    %add3A_4 = arith.addi %add3A_1, %mul3A_3 : i32
    %mul3A_5 = arith.constant 2 : i32
    %mul3A_6 = arith.muli %add3A_4, %mul3A_5 : i32
    "tpu.region"() ({
      %run_scoped3A = memref.alloca() : memref<2x1x128xi32, #tpu.memory_space<vmem>>
      %run_scoped3A_7 = tpu.sem_alloc : memref<2x!tpu.dma_semaphore, #tpu.memory_space<semaphore_mem>>
      %run_scoped3A_8 = memref.alloca() : memref<2x128x256xf32, #tpu.memory_space<vmem>>
      %run_scoped3A_9 = tpu.sem_alloc : memref<2x!tpu.dma_semaphore, #tpu.memory_space<semaphore_mem>>
      %add3A_10 = arith.constant 0 : i32
      %add3A_11 = arith.addi %add3A_10, %mul3A_6 : i32
      %select_n3A = arith.constant true
      %select_n3A_12 = arith.constant 0 : i32
      %select_n3A_13 = arith.constant -1 : i32
      %select_n3A_14 = arith.select %select_n3A, %select_n3A_13, %select_n3A_12 : i32
      %eq3A = arith.constant -1 : i32
      %eq3A_15 = arith.cmpi eq, %select_n3A_14, %eq3A : i32
      %select_n3A_16 = arith.constant 1 : i32
      %select_n3A_17 = arith.select %eq3A_15, %select_n3A_16, %select_n3A_14 : i32
      %add3A_18 = arith.addi %select_n3A_17, %mul3A_6 : i32
      %select_n3A_19 = arith.constant true
      %select_n3A_20 = arith.constant 0 : i32
      %select_n3A_21 = arith.constant 1 : i32
      %select_n3A_22 = arith.select %select_n3A_19, %select_n3A_21, %select_n3A_20 : i32
      %eq3A_23 = arith.constant 2 : i32
      %eq3A_24 = arith.cmpi eq, %select_n3A_22, %eq3A_23 : i32
      %select_n3A_25 = arith.constant 0 : i32
      %select_n3A_26 = arith.select %eq3A_24, %select_n3A_25, %select_n3A_22 : i32
      %add3A_27 = arith.addi %select_n3A_26, %mul3A_6 : i32
      %add3A_28 = arith.constant 1 : i32
      %add3A_29 = arith.addi %select_n3A_26, %add3A_28 : i32
      %select_n3A_30 = arith.constant true
      %select_n3A_31 = arith.select %select_n3A_30, %add3A_29, %select_n3A_26 : i32
      %eq3A_32 = arith.constant 2 : i32
      %eq3A_33 = arith.cmpi eq, %select_n3A_31, %eq3A_32 : i32
      %select_n3A_34 = arith.constant 0 : i32
      %select_n3A_35 = arith.select %eq3A_33, %select_n3A_34, %select_n3A_31 : i32
      %add3A_36 = arith.addi %select_n3A_35, %mul3A_6 : i32
      "tpu.trace_start"() <{level = 10 : i32, message = "ep_initialize_0"}> : () -> ()
      %rem3A = arith.constant 0 : i32
      %rem3A_37 = arith.constant 2 : i32
      %rem3A_38 = arith.remui %rem3A, %rem3A_37 : i32
      %mul3A_39 = arith.constant 128 : i32
      %mul3A_40 = arith.muli %mul3A_39, %add3A_11 : i32
      %dma_start3A = arith.constant 0 : i32
      %dma_start3A_41 = arith.constant 0 : i32
      %dma_start3A_42 = tpu.memref_slice %run_scoped3A[%rem3A_38, %dma_start3A, %dma_start3A_41] : memref<2x1x128xi32, #tpu.memory_space<vmem>> -> memref<1x1x128xi32, #tpu.memory_space<vmem>>
      %dma_start3A_43 = tpu.memref_squeeze %dma_start3A_42 : memref<1x1x128xi32, #tpu.memory_space<vmem>> -> memref<1x128xi32, #tpu.memory_space<vmem>>
      %dma_start3A_44 = arith.constant 0 : i32
      %dma_start3A_45 = tpu.memref_slice %arg3[%dma_start3A_44, %mul3A_40] : memref<1x8192xi32, #tpu.memory_space<hbm>> -> memref<1x128xi32, #tpu.memory_space<hbm>>
      %dma_start3A_46 = tpu.memref_slice %run_scoped3A_7[%rem3A_38] : memref<2x!tpu.dma_semaphore, #tpu.memory_space<semaphore_mem>> -> memref<1x!tpu.dma_semaphore, #tpu.memory_space<semaphore_mem>>
      %dma_start3A_47 = tpu.memref_squeeze %dma_start3A_46 : memref<1x!tpu.dma_semaphore, #tpu.memory_space<semaphore_mem>> -> memref<!tpu.dma_semaphore, #tpu.memory_space<semaphore_mem>>
      %dma_start3A_48 = arith.constant 0 : i32
      %dma_start3A_49 = arith.constant 0 : i32
      %dma_start3A_50 = tpu.memref_slice %run_scoped3A[%rem3A_38, %dma_start3A_48, %dma_start3A_49] : memref<2x1x128xi32, #tpu.memory_space<vmem>> -> memref<1x1x128xi32, #tpu.memory_space<vmem>>
      %dma_start3A_51 = tpu.memref_squeeze %dma_start3A_50 : memref<1x1x128xi32, #tpu.memory_space<vmem>> -> memref<1x128xi32, #tpu.memory_space<vmem>>
      %dma_start3A_52 = arith.constant 0 : i32
      %dma_start3A_53 = tpu.memref_slice %arg3[%dma_start3A_52, %mul3A_40] : memref<1x8192xi32, #tpu.memory_space<hbm>> -> memref<1x128xi32, #tpu.memory_space<hbm>>
      tpu.enqueue_dma source(%dma_start3A_53 : memref<1x128xi32, #tpu.memory_space<hbm>>) target(%dma_start3A_51 : memref<1x128xi32, #tpu.memory_space<vmem>>) target_semaphore(%dma_start3A_47 : memref<!tpu.dma_semaphore, #tpu.memory_space<semaphore_mem>>)
      %add3A_54 = arith.constant 0 : i32
      %add3A_55 = arith.constant 1 : i32
      %add3A_56 = arith.addi %add3A_54, %add3A_55 : i32
      %select_n3A_57 = arith.constant true
      %select_n3A_58 = arith.constant 0 : i32
      %select_n3A_59 = arith.select %select_n3A_57, %add3A_56, %select_n3A_58 : i32
      "tpu.trace_stop"() : () -> ()
      %scan3A = arith.constant 0 : i32
      %scan3A_60 = arith.constant 0 : i32
      %scan3A_61 = arith.constant 0 : i32
      %scan3A_62 = arith.constant 0 : i32
      %scan3A_63 = arith.constant 0 : i32
      %scan3A_64 = arith.constant 2 : i32
      %scan3A_65 = arith.addi %scan3A_63, %scan3A_64 : i32
      %scan3A_66 = arith.constant 1 : i32
      %scan3A_67:5 = scf.for %scan3A_121 = %scan3A_63 to %scan3A_65 step %scan3A_66 iter_args(%scan3A_122 = %select_n3A_59, %scan3A_123 = %scan3A, %scan3A_124 = %scan3A_60, %scan3A_125 = %scan3A_61, %scan3A_126 = %scan3A_62) -> (i32, i32, i32, i32, i32)  : i32 {
        %eq3A_127 = arith.constant 0 : i32
        %eq3A_128 = arith.cmpi eq, %scan3A_121, %eq3A_127 : i32
        %eq3A_129 = arith.constant 1 : i32
        %eq3A_130 = arith.cmpi eq, %scan3A_121, %eq3A_129 : i32
        %add3A_131 = arith.addi %scan3A_126, %mul3A_6 : i32
        %sub3A_132 = arith.constant 1 : i32
        %sub3A_133 = arith.subi %scan3A_126, %sub3A_132 : i32
        %select_n3A_134 = arith.constant true
        %select_n3A_135 = arith.select %select_n3A_134, %sub3A_133, %scan3A_126 : i32
        %eq3A_136 = arith.constant -1 : i32
        %eq3A_137 = arith.cmpi eq, %select_n3A_135, %eq3A_136 : i32
        %select_n3A_138 = arith.constant 1 : i32
        %select_n3A_139 = arith.select %eq3A_137, %select_n3A_138, %select_n3A_135 : i32
        %add3A_140 = arith.addi %select_n3A_139, %mul3A_6 : i32
        %add3A_141 = arith.constant 1 : i32
        %add3A_142 = arith.addi %scan3A_126, %add3A_141 : i32
        %select_n3A_143 = arith.constant true
        %select_n3A_144 = arith.select %select_n3A_143, %add3A_142, %scan3A_126 : i32
        %eq3A_145 = arith.constant 2 : i32
        %eq3A_146 = arith.cmpi eq, %select_n3A_144, %eq3A_145 : i32
        %select_n3A_147 = arith.constant 0 : i32
        %select_n3A_148 = arith.select %eq3A_146, %select_n3A_147, %select_n3A_144 : i32
        %add3A_149 = arith.addi %select_n3A_148, %mul3A_6 : i32
        %add3A_150 = arith.constant 1 : i32
        %add3A_151 = arith.addi %select_n3A_148, %add3A_150 : i32
        %select_n3A_152 = arith.constant true
        %select_n3A_153 = arith.select %select_n3A_152, %add3A_151, %select_n3A_148 : i32
        %eq3A_154 = arith.constant 2 : i32
        %eq3A_155 = arith.cmpi eq, %select_n3A_153, %eq3A_154 : i32
        %select_n3A_156 = arith.constant 0 : i32
        %select_n3A_157 = arith.select %eq3A_155, %select_n3A_156, %select_n3A_153 : i32
        %add3A_158 = arith.addi %select_n3A_157, %mul3A_6 : i32
        %ne3A = arith.cmpi ne, %add3A_131, %add3A_149 : i32
        %or3A = arith.constant false
        %or3A_159 = arith.ori %or3A, %ne3A : i1
        %ge3A = arith.constant 1 : i32
        %ge3A_160 = arith.cmpi sge, %scan3A_121, %ge3A : i32
        %not3A = arith.constant true
        %not3A_161 = arith.xori %ge3A_160, %not3A : i1
        %and3A = arith.andi %or3A_159, %not3A_161 : i1
        %convert_element_type3A = arith.extui %and3A : i1 to i32
        %cond3A = arith.constant 0 : i32
        %cond3A_162 = arith.cmpi ne, %convert_element_type3A, %cond3A : i32
        scf.if %cond3A_162 {
          "tpu.trace_start"() <{level = 10 : i32, message = "ep_copy_in"}> : () -> ()
          %rem3A_264 = arith.constant 2 : i32
          %rem3A_265 = arith.remui %scan3A_122, %rem3A_264 : i32
          %mul3A_266 = arith.constant 128 : i32
          %mul3A_267 = arith.muli %mul3A_266, %add3A_149 : i32
          %dma_start3A_268 = arith.constant 0 : i32
          %dma_start3A_269 = arith.constant 0 : i32
          %dma_start3A_270 = tpu.memref_slice %run_scoped3A[%rem3A_265, %dma_start3A_268, %dma_start3A_269] : memref<2x1x128xi32, #tpu.memory_space<vmem>> -> memref<1x1x128xi32, #tpu.memory_space<vmem>>
          %dma_start3A_271 = tpu.memref_squeeze %dma_start3A_270 : memref<1x1x128xi32, #tpu.memory_space<vmem>> -> memref<1x128xi32, #tpu.memory_space<vmem>>
          %dma_start3A_272 = arith.constant 0 : i32
          %dma_start3A_273 = tpu.memref_slice %arg3[%dma_start3A_272, %mul3A_267] : memref<1x8192xi32, #tpu.memory_space<hbm>> -> memref<1x128xi32, #tpu.memory_space<hbm>>
          %dma_start3A_274 = tpu.memref_slice %run_scoped3A_7[%rem3A_265] : memref<2x!tpu.dma_semaphore, #tpu.memory_space<semaphore_mem>> -> memref<1x!tpu.dma_semaphore, #tpu.memory_space<semaphore_mem>>
          %dma_start3A_275 = tpu.memref_squeeze %dma_start3A_274 : memref<1x!tpu.dma_semaphore, #tpu.memory_space<semaphore_mem>> -> memref<!tpu.dma_semaphore, #tpu.memory_space<semaphore_mem>>
          %dma_start3A_276 = arith.constant 0 : i32
          %dma_start3A_277 = arith.constant 0 : i32
          %dma_start3A_278 = tpu.memref_slice %run_scoped3A[%rem3A_265, %dma_start3A_276, %dma_start3A_277] : memref<2x1x128xi32, #tpu.memory_space<vmem>> -> memref<1x1x128xi32, #tpu.memory_space<vmem>>
          %dma_start3A_279 = tpu.memref_squeeze %dma_start3A_278 : memref<1x1x128xi32, #tpu.memory_space<vmem>> -> memref<1x128xi32, #tpu.memory_space<vmem>>
          %dma_start3A_280 = arith.constant 0 : i32
          %dma_start3A_281 = tpu.memref_slice %arg3[%dma_start3A_280, %mul3A_267] : memref<1x8192xi32, #tpu.memory_space<hbm>> -> memref<1x128xi32, #tpu.memory_space<hbm>>
          tpu.enqueue_dma source(%dma_start3A_281 : memref<1x128xi32, #tpu.memory_space<hbm>>) target(%dma_start3A_279 : memref<1x128xi32, #tpu.memory_space<vmem>>) target_semaphore(%dma_start3A_275 : memref<!tpu.dma_semaphore, #tpu.memory_space<semaphore_mem>>)
          "tpu.trace_stop"() : () -> ()
        } else {
        }
        %and3A_163 = arith.constant true
        %and3A_164 = arith.andi %and3A, %and3A_163 : i1
        %add3A_165 = arith.constant 1 : i32
        %add3A_166 = arith.addi %scan3A_122, %add3A_165 : i32
        %select_n3A_167 = arith.select %and3A_164, %add3A_166, %scan3A_122 : i32
        %ne3A_168 = arith.cmpi ne, %add3A_131, %add3A_149 : i32
        %or3A_169 = arith.constant false
        %or3A_170 = arith.ori %or3A_169, %ne3A_168 : i1
        %or3A_171 = arith.constant false
        %or3A_172 = arith.ori %or3A_170, %or3A_171 : i1
        %ge3A_173 = arith.constant 1 : i32
        %ge3A_174 = arith.cmpi sge, %scan3A_121, %ge3A_173 : i32
        %not3A_175 = arith.constant true
        %not3A_176 = arith.xori %ge3A_174, %not3A_175 : i1
        %and3A_177 = arith.andi %or3A_172, %not3A_176 : i1
        %ne3A_178 = arith.cmpi ne, %add3A_131, %add3A_140 : i32
        %or3A_179 = arith.constant false
        %or3A_180 = arith.ori %or3A_179, %ne3A_178 : i1
        %or3A_181 = arith.ori %or3A_180, %eq3A_128 : i1
        %convert_element_type3A_182 = arith.extui %or3A_181 : i1 to i32
        %cond3A_183 = arith.constant 0 : i32
        %cond3A_184 = arith.cmpi ne, %convert_element_type3A_182, %cond3A_183 : i32
        scf.if %cond3A_184 {
          "tpu.trace_start"() <{level = 10 : i32, message = "ep_wait_in"}> : () -> ()
          %mul3A_264 = arith.constant 128 : i32
          %mul3A_265 = arith.muli %mul3A_264, %add3A_131 : i32
          %rem3A_266 = arith.constant 2 : i32
          %rem3A_267 = arith.remui %scan3A_123, %rem3A_266 : i32
          %dma_wait3A_268 = arith.constant 0 : i32
          %dma_wait3A_269 = arith.constant 0 : i32
          %dma_wait3A_270 = tpu.memref_slice %run_scoped3A[%rem3A_267, %dma_wait3A_268, %dma_wait3A_269] : memref<2x1x128xi32, #tpu.memory_space<vmem>> -> memref<1x1x128xi32, #tpu.memory_space<vmem>>
          %dma_wait3A_271 = tpu.memref_squeeze %dma_wait3A_270 : memref<1x1x128xi32, #tpu.memory_space<vmem>> -> memref<1x128xi32, #tpu.memory_space<vmem>>
          %dma_wait3A_272 = arith.constant 0 : i32
          %dma_wait3A_273 = tpu.memref_slice %arg3[%dma_wait3A_272, %mul3A_265] : memref<1x8192xi32, #tpu.memory_space<hbm>> -> memref<1x128xi32, #tpu.memory_space<hbm>>
          %dma_wait3A_274 = tpu.memref_slice %run_scoped3A_7[%rem3A_267] : memref<2x!tpu.dma_semaphore, #tpu.memory_space<semaphore_mem>> -> memref<1x!tpu.dma_semaphore, #tpu.memory_space<semaphore_mem>>
          %dma_wait3A_275 = tpu.memref_squeeze %dma_wait3A_274 : memref<1x!tpu.dma_semaphore, #tpu.memory_space<semaphore_mem>> -> memref<!tpu.dma_semaphore, #tpu.memory_space<semaphore_mem>>
          %dma_wait3A_276 = arith.constant 0 : i32
          %dma_wait3A_277 = arith.constant 0 : i32
          %dma_wait3A_278 = tpu.memref_slice %run_scoped3A[%rem3A_267, %dma_wait3A_276, %dma_wait3A_277] : memref<2x1x128xi32, #tpu.memory_space<vmem>> -> memref<1x1x128xi32, #tpu.memory_space<vmem>>
          %dma_wait3A_279 = tpu.memref_squeeze %dma_wait3A_278 : memref<1x1x128xi32, #tpu.memory_space<vmem>> -> memref<1x128xi32, #tpu.memory_space<vmem>>
          %dma_wait3A_280 = arith.constant 0 : i32
          %dma_wait3A_281 = tpu.memref_slice %arg3[%dma_wait3A_280, %mul3A_265] : memref<1x8192xi32, #tpu.memory_space<hbm>> -> memref<1x128xi32, #tpu.memory_space<hbm>>
          tpu.wait_dma2 semaphore(%dma_wait3A_275 : memref<!tpu.dma_semaphore, #tpu.memory_space<semaphore_mem>>) src(%dma_wait3A_281 : memref<1x128xi32, #tpu.memory_space<hbm>>) dst(%dma_wait3A_279 : memref<1x128xi32, #tpu.memory_space<vmem>>)
          "tpu.trace_stop"() : () -> ()
        } else {
        }
        %ne3A_185 = arith.cmpi ne, %add3A_131, %add3A_140 : i32
        %or3A_186 = arith.constant false
        %or3A_187 = arith.ori %or3A_186, %ne3A_185 : i1
        %or3A_188 = arith.constant false
        %or3A_189 = arith.ori %or3A_187, %or3A_188 : i1
        %or3A_190 = arith.ori %or3A_189, %eq3A_128 : i1
        %convert_element_type3A_191 = arith.extui %or3A_190 : i1 to i32
        %cond3A_192 = arith.constant 0 : i32
        %cond3A_193 = arith.cmpi ne, %convert_element_type3A_191, %cond3A_192 : i32
        scf.if %cond3A_193 {
        } else {
        }
        %rem3A_194 = arith.constant 2 : i32
        %rem3A_195 = arith.remui %scan3A_123, %rem3A_194 : i32
        %rem3A_196 = arith.constant 2 : i32
        %rem3A_197 = arith.remui %scan3A_124, %rem3A_196 : i32
        %run_scoped3A_198 = arith.constant 0 : i32
        "tpu.trace_start"() <{level = 10 : i32, message = "ep_run_kernel"}> : () -> ()
        "tpu.region"() ({
          %run_scoped3A_264 = tpu.sem_alloc : memref<!tpu.dma_semaphore, #tpu.memory_space<semaphore_mem>>
          %dma_start3A_265 = arith.constant 0 : i32
          %dma_start3A_266 = arith.constant 0 : i32
          %dma_start3A_267 = tpu.memref_slice %run_scoped3A_8[%rem3A_197, %dma_start3A_265, %dma_start3A_266] : memref<2x128x256xf32, #tpu.memory_space<vmem>> -> memref<1x128x256xf32, #tpu.memory_space<vmem>>
          %dma_start3A_268 = tpu.memref_squeeze %dma_start3A_267 : memref<1x128x256xf32, #tpu.memory_space<vmem>> -> memref<128x256xf32, #tpu.memory_space<vmem>>
          %dma_start3A_269 = arith.constant 0 : i32
          %dma_start3A_270 = arith.constant 0 : i32
          %dma_start3A_271 = tpu.memref_slice %run_scoped3A[%rem3A_195, %dma_start3A_269, %dma_start3A_270] : memref<2x1x128xi32, #tpu.memory_space<vmem>> -> memref<1x1x128xi32, #tpu.memory_space<vmem>>
          %dma_start3A_272 = tpu.memref_squeeze %dma_start3A_271 : memref<1x1x128xi32, #tpu.memory_space<vmem>> -> memref<1x128xi32, #tpu.memory_space<vmem>>
          %dma_start3A_273 = arith.constant 0 : i32
          %dma_start3A_274 = tpu.memref_slice %dma_start3A_272[%run_scoped3A_198, %dma_start3A_273] : memref<1x128xi32, #tpu.memory_space<vmem>> -> memref<1x128xi32, #tpu.memory_space<vmem>>
          %dma_start3A_275 = tpu.memref_squeeze %dma_start3A_274 : memref<1x128xi32, #tpu.memory_space<vmem>> -> memref<128xi32, #tpu.memory_space<vmem>>
          %dma_start3A_276 = arith.constant 0 : i32
          %dma_start3A_277 = arith.constant 0 : i32
          %dma_start3A_278 = tpu.memref_slice %arg2[%dma_start3A_276, %dma_start3A_277] : memref<8192x256xf32, #tpu.memory_space<hbm>> -> memref<8192x256xf32, #tpu.memory_space<hbm>>
          tpu.enqueue_indirect_dma source(%dma_start3A_278 : memref<8192x256xf32, #tpu.memory_space<hbm>>) target(%dma_start3A_268 : memref<128x256xf32, #tpu.memory_space<vmem>>) offsets(%dma_start3A_275 : memref<128xi32, #tpu.memory_space<vmem>>) semaphore(%run_scoped3A_264 : memref<!tpu.dma_semaphore, #tpu.memory_space<semaphore_mem>>)
          %dma_wait3A_279 = arith.constant 0 : i32
          %dma_wait3A_280 = arith.constant 0 : i32
          %dma_wait3A_281 = tpu.memref_slice %run_scoped3A_8[%rem3A_197, %dma_wait3A_279, %dma_wait3A_280] : memref<2x128x256xf32, #tpu.memory_space<vmem>> -> memref<1x128x256xf32, #tpu.memory_space<vmem>>
          %dma_wait3A_282 = tpu.memref_squeeze %dma_wait3A_281 : memref<1x128x256xf32, #tpu.memory_space<vmem>> -> memref<128x256xf32, #tpu.memory_space<vmem>>
          %dma_wait3A_283 = arith.constant 0 : i32
          %dma_wait3A_284 = arith.constant 0 : i32
          %dma_wait3A_285 = tpu.memref_slice %run_scoped3A[%rem3A_195, %dma_wait3A_283, %dma_wait3A_284] : memref<2x1x128xi32, #tpu.memory_space<vmem>> -> memref<1x1x128xi32, #tpu.memory_space<vmem>>
          %dma_wait3A_286 = tpu.memref_squeeze %dma_wait3A_285 : memref<1x1x128xi32, #tpu.memory_space<vmem>> -> memref<1x128xi32, #tpu.memory_space<vmem>>
          %dma_wait3A_287 = arith.constant 0 : i32
          %dma_wait3A_288 = tpu.memref_slice %dma_wait3A_286[%run_scoped3A_198, %dma_wait3A_287] : memref<1x128xi32, #tpu.memory_space<vmem>> -> memref<1x128xi32, #tpu.memory_space<vmem>>
          %dma_wait3A_289 = tpu.memref_squeeze %dma_wait3A_288 : memref<1x128xi32, #tpu.memory_space<vmem>> -> memref<128xi32, #tpu.memory_space<vmem>>
          %dma_wait3A_290 = arith.constant 0 : i32
          %dma_wait3A_291 = arith.constant 0 : i32
          %dma_wait3A_292 = tpu.memref_slice %arg2[%dma_wait3A_290, %dma_wait3A_291] : memref<8192x256xf32, #tpu.memory_space<hbm>> -> memref<8192x256xf32, #tpu.memory_space<hbm>>
          tpu.wait_indirect_dma semaphore(%run_scoped3A_264 : memref<!tpu.dma_semaphore, #tpu.memory_space<semaphore_mem>>) src(%dma_wait3A_292 : memref<8192x256xf32, #tpu.memory_space<hbm>>) dst(%dma_wait3A_282 : memref<128x256xf32, #tpu.memory_space<vmem>>)
          tpu.yield
        }) : () -> ()
        "tpu.trace_stop"() : () -> ()
        %ne3A_199 = arith.cmpi ne, %add3A_131, %add3A_149 : i32
        %or3A_200 = arith.constant false
        %or3A_201 = arith.ori %or3A_200, %ne3A_199 : i1
        %or3A_202 = arith.ori %or3A_201, %eq3A_130 : i1
        %convert_element_type3A_203 = arith.extui %or3A_202 : i1 to i32
        %cond3A_204 = arith.constant 0 : i32
        %cond3A_205 = arith.cmpi ne, %convert_element_type3A_203, %cond3A_204 : i32
        scf.if %cond3A_205 {
        } else {
        }
        %and3A_206 = arith.constant false
        %and3A_207 = arith.andi %or3A_202, %and3A_206 : i1
        %ne3A_208 = arith.cmpi ne, %add3A_131, %add3A_149 : i32
        %or3A_209 = arith.constant false
        %or3A_210 = arith.ori %or3A_209, %ne3A_208 : i1
        %or3A_211 = arith.constant false
        %or3A_212 = arith.ori %or3A_210, %or3A_211 : i1
        %or3A_213 = arith.ori %or3A_212, %eq3A_130 : i1
        %convert_element_type3A_214 = arith.extui %or3A_213 : i1 to i32
        %cond3A_215 = arith.constant 0 : i32
        %cond3A_216 = arith.cmpi ne, %convert_element_type3A_214, %cond3A_215 : i32
        scf.if %cond3A_216 {
          "tpu.trace_start"() <{level = 10 : i32, message = "ep_copy_out"}> : () -> ()
          %rem3A_264 = arith.constant 2 : i32
          %rem3A_265 = arith.remui %scan3A_124, %rem3A_264 : i32
          %mul3A_266 = arith.constant 128 : i32
          %mul3A_267 = arith.muli %mul3A_266, %add3A_131 : i32
          %dma_start3A_268 = arith.constant 0 : i32
          %dma_start3A_269 = arith.constant 0 : i32
          %dma_start3A_270 = tpu.memref_slice %run_scoped3A_8[%rem3A_265, %dma_start3A_268, %dma_start3A_269] : memref<2x128x256xf32, #tpu.memory_space<vmem>> -> memref<1x128x256xf32, #tpu.memory_space<vmem>>
          %dma_start3A_271 = tpu.memref_squeeze %dma_start3A_270 : memref<1x128x256xf32, #tpu.memory_space<vmem>> -> memref<128x256xf32, #tpu.memory_space<vmem>>
          %dma_start3A_272 = arith.constant 0 : i32
          %dma_start3A_273 = tpu.memref_slice %arg4[%mul3A_267, %dma_start3A_272] : memref<8192x256xf32, #tpu.memory_space<hbm>> -> memref<128x256xf32, #tpu.memory_space<hbm>>
          %dma_start3A_274 = tpu.memref_slice %run_scoped3A_9[%rem3A_265] : memref<2x!tpu.dma_semaphore, #tpu.memory_space<semaphore_mem>> -> memref<1x!tpu.dma_semaphore, #tpu.memory_space<semaphore_mem>>
          %dma_start3A_275 = tpu.memref_squeeze %dma_start3A_274 : memref<1x!tpu.dma_semaphore, #tpu.memory_space<semaphore_mem>> -> memref<!tpu.dma_semaphore, #tpu.memory_space<semaphore_mem>>
          %dma_start3A_276 = arith.constant 0 : i32
          %dma_start3A_277 = tpu.memref_slice %arg4[%mul3A_267, %dma_start3A_276] : memref<8192x256xf32, #tpu.memory_space<hbm>> -> memref<128x256xf32, #tpu.memory_space<hbm>>
          %dma_start3A_278 = arith.constant 0 : i32
          %dma_start3A_279 = arith.constant 0 : i32
          %dma_start3A_280 = tpu.memref_slice %run_scoped3A_8[%rem3A_265, %dma_start3A_278, %dma_start3A_279] : memref<2x128x256xf32, #tpu.memory_space<vmem>> -> memref<1x128x256xf32, #tpu.memory_space<vmem>>
          %dma_start3A_281 = tpu.memref_squeeze %dma_start3A_280 : memref<1x128x256xf32, #tpu.memory_space<vmem>> -> memref<128x256xf32, #tpu.memory_space<vmem>>
          tpu.enqueue_dma source(%dma_start3A_281 : memref<128x256xf32, #tpu.memory_space<vmem>>) target(%dma_start3A_277 : memref<128x256xf32, #tpu.memory_space<hbm>>) target_semaphore(%dma_start3A_275 : memref<!tpu.dma_semaphore, #tpu.memory_space<semaphore_mem>>)
          "tpu.trace_stop"() : () -> ()
        } else {
        }
        %and3A_217 = arith.constant true
        %and3A_218 = arith.andi %or3A_213, %and3A_217 : i1
        %add3A_219 = arith.constant 1 : i32
        %add3A_220 = arith.addi %scan3A_124, %add3A_219 : i32
        %select_n3A_221 = arith.select %and3A_218, %add3A_220, %scan3A_124 : i32
        %ne3A_222 = arith.cmpi ne, %add3A_131, %add3A_140 : i32
        %or3A_223 = arith.constant false
        %or3A_224 = arith.ori %or3A_223, %ne3A_222 : i1
        %not3A_225 = arith.constant true
        %not3A_226 = arith.xori %eq3A_128, %not3A_225 : i1
        %and3A_227 = arith.andi %or3A_224, %not3A_226 : i1
        %convert_element_type3A_228 = arith.extui %and3A_227 : i1 to i32
        %cond3A_229 = arith.constant 0 : i32
        %cond3A_230 = arith.cmpi ne, %convert_element_type3A_228, %cond3A_229 : i32
        scf.if %cond3A_230 {
        } else {
        }
        %and3A_231 = arith.constant false
        %and3A_232 = arith.andi %and3A_227, %and3A_231 : i1
        %ne3A_233 = arith.cmpi ne, %add3A_131, %add3A_140 : i32
        %or3A_234 = arith.constant false
        %or3A_235 = arith.ori %or3A_234, %ne3A_233 : i1
        %or3A_236 = arith.constant false
        %or3A_237 = arith.ori %or3A_235, %or3A_236 : i1
        %not3A_238 = arith.constant true
        %not3A_239 = arith.xori %eq3A_128, %not3A_238 : i1
        %and3A_240 = arith.andi %or3A_237, %not3A_239 : i1
        %convert_element_type3A_241 = arith.extui %and3A_240 : i1 to i32
        %cond3A_242 = arith.constant 0 : i32
        %cond3A_243 = arith.cmpi ne, %convert_element_type3A_241, %cond3A_242 : i32
        scf.if %cond3A_243 {
          "tpu.trace_start"() <{level = 10 : i32, message = "ep_wait_out"}> : () -> ()
          %rem3A_264 = arith.constant 2 : i32
          %rem3A_265 = arith.remui %scan3A_125, %rem3A_264 : i32
          %mul3A_266 = arith.constant 128 : i32
          %mul3A_267 = arith.muli %mul3A_266, %add3A_140 : i32
          %dma_wait3A_268 = arith.constant 0 : i32
          %dma_wait3A_269 = arith.constant 0 : i32
          %dma_wait3A_270 = tpu.memref_slice %run_scoped3A_8[%rem3A_265, %dma_wait3A_268, %dma_wait3A_269] : memref<2x128x256xf32, #tpu.memory_space<vmem>> -> memref<1x128x256xf32, #tpu.memory_space<vmem>>
          %dma_wait3A_271 = tpu.memref_squeeze %dma_wait3A_270 : memref<1x128x256xf32, #tpu.memory_space<vmem>> -> memref<128x256xf32, #tpu.memory_space<vmem>>
          %dma_wait3A_272 = arith.constant 0 : i32
          %dma_wait3A_273 = tpu.memref_slice %arg4[%mul3A_267, %dma_wait3A_272] : memref<8192x256xf32, #tpu.memory_space<hbm>> -> memref<128x256xf32, #tpu.memory_space<hbm>>
          %dma_wait3A_274 = tpu.memref_slice %run_scoped3A_9[%rem3A_265] : memref<2x!tpu.dma_semaphore, #tpu.memory_space<semaphore_mem>> -> memref<1x!tpu.dma_semaphore, #tpu.memory_space<semaphore_mem>>
          %dma_wait3A_275 = tpu.memref_squeeze %dma_wait3A_274 : memref<1x!tpu.dma_semaphore, #tpu.memory_space<semaphore_mem>> -> memref<!tpu.dma_semaphore, #tpu.memory_space<semaphore_mem>>
          %dma_wait3A_276 = arith.constant 0 : i32
          %dma_wait3A_277 = tpu.memref_slice %arg4[%mul3A_267, %dma_wait3A_276] : memref<8192x256xf32, #tpu.memory_space<hbm>> -> memref<128x256xf32, #tpu.memory_space<hbm>>
          %dma_wait3A_278 = arith.constant 0 : i32
          %dma_wait3A_279 = arith.constant 0 : i32
          %dma_wait3A_280 = tpu.memref_slice %run_scoped3A_8[%rem3A_265, %dma_wait3A_278, %dma_wait3A_279] : memref<2x128x256xf32, #tpu.memory_space<vmem>> -> memref<1x128x256xf32, #tpu.memory_space<vmem>>
          %dma_wait3A_281 = tpu.memref_squeeze %dma_wait3A_280 : memref<1x128x256xf32, #tpu.memory_space<vmem>> -> memref<128x256xf32, #tpu.memory_space<vmem>>
          tpu.wait_dma2 semaphore(%dma_wait3A_275 : memref<!tpu.dma_semaphore, #tpu.memory_space<semaphore_mem>>) src(%dma_wait3A_281 : memref<128x256xf32, #tpu.memory_space<vmem>>) dst(%dma_wait3A_277 : memref<128x256xf32, #tpu.memory_space<hbm>>)
          "tpu.trace_stop"() : () -> ()
        } else {
        }
        %and3A_244 = arith.constant true
        %and3A_245 = arith.andi %and3A_240, %and3A_244 : i1
        %add3A_246 = arith.constant 1 : i32
        %add3A_247 = arith.addi %scan3A_125, %add3A_246 : i32
        %select_n3A_248 = arith.select %and3A_245, %add3A_247, %scan3A_125 : i32
        %ne3A_249 = arith.cmpi ne, %add3A_131, %add3A_149 : i32
        %or3A_250 = arith.constant false
        %or3A_251 = arith.ori %or3A_250, %ne3A_249 : i1
        %or3A_252 = arith.ori %or3A_251, %eq3A_130 : i1
        %add3A_253 = arith.constant 1 : i32
        %add3A_254 = arith.addi %scan3A_123, %add3A_253 : i32
        %select_n3A_255 = arith.select %or3A_252, %add3A_254, %scan3A_123 : i32
        %add3A_256 = arith.constant 1 : i32
        %add3A_257 = arith.addi %scan3A_126, %add3A_256 : i32
        %select_n3A_258 = arith.constant true
        %select_n3A_259 = arith.select %select_n3A_258, %add3A_257, %scan3A_126 : i32
        %eq3A_260 = arith.constant 2 : i32
        %eq3A_261 = arith.cmpi eq, %select_n3A_259, %eq3A_260 : i32
        %select_n3A_262 = arith.constant 0 : i32
        %select_n3A_263 = arith.select %eq3A_261, %select_n3A_262, %select_n3A_259 : i32
        scf.yield %select_n3A_167, %select_n3A_255, %select_n3A_221, %select_n3A_248, %select_n3A_263 : i32, i32, i32, i32, i32
      }
      %scan3A_68 = arith.constant 2 : i32
      %sub3A = arith.constant 1 : i32
      %sub3A_69 = arith.subi %scan3A_67#4, %sub3A : i32
      %select_n3A_70 = arith.constant true
      %select_n3A_71 = arith.select %select_n3A_70, %sub3A_69, %scan3A_67#4 : i32
      %eq3A_72 = arith.constant -1 : i32
      %eq3A_73 = arith.cmpi eq, %select_n3A_71, %eq3A_72 : i32
      %select_n3A_74 = arith.constant 1 : i32
      %select_n3A_75 = arith.select %eq3A_73, %select_n3A_74, %select_n3A_71 : i32
      %add3A_76 = arith.addi %select_n3A_75, %mul3A_6 : i32
      %sub3A_77 = arith.constant 1 : i32
      %sub3A_78 = arith.subi %select_n3A_75, %sub3A_77 : i32
      %select_n3A_79 = arith.constant true
      %select_n3A_80 = arith.select %select_n3A_79, %sub3A_78, %select_n3A_75 : i32
      %eq3A_81 = arith.constant -1 : i32
      %eq3A_82 = arith.cmpi eq, %select_n3A_80, %eq3A_81 : i32
      %select_n3A_83 = arith.constant 1 : i32
      %select_n3A_84 = arith.select %eq3A_82, %select_n3A_83, %select_n3A_80 : i32
      %add3A_85 = arith.addi %select_n3A_84, %mul3A_6 : i32
      %add3A_86 = arith.constant 1 : i32
      %add3A_87 = arith.addi %select_n3A_75, %add3A_86 : i32
      %select_n3A_88 = arith.constant true
      %select_n3A_89 = arith.select %select_n3A_88, %add3A_87, %select_n3A_75 : i32
      %eq3A_90 = arith.constant 2 : i32
      %eq3A_91 = arith.cmpi eq, %select_n3A_89, %eq3A_90 : i32
      %select_n3A_92 = arith.constant 0 : i32
      %select_n3A_93 = arith.select %eq3A_91, %select_n3A_92, %select_n3A_89 : i32
      %add3A_94 = arith.addi %select_n3A_93, %mul3A_6 : i32
      %add3A_95 = arith.constant 1 : i32
      %add3A_96 = arith.addi %select_n3A_93, %add3A_95 : i32
      %select_n3A_97 = arith.constant true
      %select_n3A_98 = arith.select %select_n3A_97, %add3A_96, %select_n3A_93 : i32
      %eq3A_99 = arith.constant 2 : i32
      %eq3A_100 = arith.cmpi eq, %select_n3A_98, %eq3A_99 : i32
      %select_n3A_101 = arith.constant 0 : i32
      %select_n3A_102 = arith.select %eq3A_100, %select_n3A_101, %select_n3A_98 : i32
      %add3A_103 = arith.addi %select_n3A_102, %mul3A_6 : i32
      "tpu.trace_start"() <{level = 10 : i32, message = "ep_finalize"}> : () -> ()
      %rem3A_104 = arith.constant 2 : i32
      %rem3A_105 = arith.remui %scan3A_67#3, %rem3A_104 : i32
      %mul3A_106 = arith.constant 128 : i32
      %mul3A_107 = arith.muli %mul3A_106, %add3A_76 : i32
      %dma_wait3A = arith.constant 0 : i32
      %dma_wait3A_108 = arith.constant 0 : i32
      %dma_wait3A_109 = tpu.memref_slice %run_scoped3A_8[%rem3A_105, %dma_wait3A, %dma_wait3A_108] : memref<2x128x256xf32, #tpu.memory_space<vmem>> -> memref<1x128x256xf32, #tpu.memory_space<vmem>>
      %dma_wait3A_110 = tpu.memref_squeeze %dma_wait3A_109 : memref<1x128x256xf32, #tpu.memory_space<vmem>> -> memref<128x256xf32, #tpu.memory_space<vmem>>
      %dma_wait3A_111 = arith.constant 0 : i32
      %dma_wait3A_112 = tpu.memref_slice %arg4[%mul3A_107, %dma_wait3A_111] : memref<8192x256xf32, #tpu.memory_space<hbm>> -> memref<128x256xf32, #tpu.memory_space<hbm>>
      %dma_wait3A_113 = tpu.memref_slice %run_scoped3A_9[%rem3A_105] : memref<2x!tpu.dma_semaphore, #tpu.memory_space<semaphore_mem>> -> memref<1x!tpu.dma_semaphore, #tpu.memory_space<semaphore_mem>>
      %dma_wait3A_114 = tpu.memref_squeeze %dma_wait3A_113 : memref<1x!tpu.dma_semaphore, #tpu.memory_space<semaphore_mem>> -> memref<!tpu.dma_semaphore, #tpu.memory_space<semaphore_mem>>
      %dma_wait3A_115 = arith.constant 0 : i32
      %dma_wait3A_116 = tpu.memref_slice %arg4[%mul3A_107, %dma_wait3A_115] : memref<8192x256xf32, #tpu.memory_space<hbm>> -> memref<128x256xf32, #tpu.memory_space<hbm>>
      %dma_wait3A_117 = arith.constant 0 : i32
      %dma_wait3A_118 = arith.constant 0 : i32
      %dma_wait3A_119 = tpu.memref_slice %run_scoped3A_8[%rem3A_105, %dma_wait3A_117, %dma_wait3A_118] : memref<2x128x256xf32, #tpu.memory_space<vmem>> -> memref<1x128x256xf32, #tpu.memory_space<vmem>>
      %dma_wait3A_120 = tpu.memref_squeeze %dma_wait3A_119 : memref<1x128x256xf32, #tpu.memory_space<vmem>> -> memref<128x256xf32, #tpu.memory_space<vmem>>
      tpu.wait_dma2 semaphore(%dma_wait3A_114 : memref<!tpu.dma_semaphore, #tpu.memory_space<semaphore_mem>>) src(%dma_wait3A_120 : memref<128x256xf32, #tpu.memory_space<vmem>>) dst(%dma_wait3A_116 : memref<128x256xf32, #tpu.memory_space<hbm>>)
      "tpu.trace_stop"() : () -> ()
      tpu.yield
    }) : () -> ()
    return
  }
}

module attributes {stable_mosaic.version = 14 : i64} {
  func.func @_rowsq_body(%arg0: i32, %arg1: memref<4096x256xf32, #tpu.memory_space<vmem>>, %arg2: memref<1x4096xf32, #tpu.memory_space<vmem>>) attributes {dimension_semantics = [#tpu.dimension_semantics<arbitrary>], iteration_bounds = array<i64: 5>, scalar_prefetch = 0 : i64, scratch_operands = 0 : i64, tpu.core_type = #tpu.core_type<tc>, window_params = [{transform_indices = @transform_0, window_bounds = array<i64: 4096, 256>}, {transform_indices = @transform_1, window_bounds = array<i64: 1, 4096>}]} {
    %get3A = arith.constant 0 : index
    %get3A_0 = arith.constant 0 : index
    %get3A_1 = vector.load %arg1[%get3A, %get3A_0] : memref<4096x256xf32, #tpu.memory_space<vmem>>, vector<4096x256xf32>
    %mul3A = arith.mulf %get3A_1, %get3A_1 : vector<4096x256xf32>
    %convert_element_type3A = arith.truncf %mul3A : vector<4096x256xf32> to vector<4096x256xbf16>
    %convert_element_type3A_2 = arith.extf %convert_element_type3A : vector<4096x256xbf16> to vector<4096x256xf32>
    %sub3A = arith.subf %mul3A, %convert_element_type3A_2 : vector<4096x256xf32>
    %convert_element_type3A_3 = arith.truncf %sub3A : vector<4096x256xf32> to vector<4096x256xbf16>
    %convert_element_type3A_4 = arith.extf %convert_element_type3A_3 : vector<4096x256xbf16> to vector<4096x256xf32>
    %sub3A_5 = arith.subf %sub3A, %convert_element_type3A_4 : vector<4096x256xf32>
    %convert_element_type3A_6 = arith.truncf %sub3A_5 : vector<4096x256xf32> to vector<4096x256xbf16>
    %broadcast_in_dim3A = arith.constant 1.000000e+00 : bf16
    %broadcast_in_dim3A_7 = vector.broadcast %broadcast_in_dim3A : bf16 to vector<1x256xbf16>
    %dot_general3A = arith.constant dense<0.000000e+00> : vector<1x4096xf32>
    %dot_general3A_8 = tpu.matmul %broadcast_in_dim3A_7, %convert_element_type3A, %dot_general3A {dimension_numbers = #tpu.dot_dimension_numbers<[1], [1], [0], [0], [0, 0, 1, 0], [], []>, transpose_lhs_hint = false} : vector<1x256xbf16>, vector<4096x256xbf16>, vector<1x4096xf32> -> vector<1x4096xf32>
    %dot_general3A_9 = arith.constant dense<0.000000e+00> : vector<1x4096xf32>
    %dot_general3A_10 = tpu.matmul %broadcast_in_dim3A_7, %convert_element_type3A_3, %dot_general3A_9 {dimension_numbers = #tpu.dot_dimension_numbers<[1], [1], [0], [0], [0, 0, 1, 0], [], []>, transpose_lhs_hint = false} : vector<1x256xbf16>, vector<4096x256xbf16>, vector<1x4096xf32> -> vector<1x4096xf32>
    %add3A = arith.addf %dot_general3A_8, %dot_general3A_10 : vector<1x4096xf32>
    %dot_general3A_11 = arith.constant dense<0.000000e+00> : vector<1x4096xf32>
    %dot_general3A_12 = tpu.matmul %broadcast_in_dim3A_7, %convert_element_type3A_6, %dot_general3A_11 {dimension_numbers = #tpu.dot_dimension_numbers<[1], [1], [0], [0], [0, 0, 1, 0], [], []>, transpose_lhs_hint = false} : vector<1x256xbf16>, vector<4096x256xbf16>, vector<1x4096xf32> -> vector<1x4096xf32>
    %add3A_13 = arith.addf %add3A, %dot_general3A_12 : vector<1x4096xf32>
    %swap3A = arith.constant 0 : index
    %swap3A_14 = arith.constant 0 : index
    %swap3A_15 = vector.load %arg2[%swap3A, %swap3A_14] : memref<1x4096xf32, #tpu.memory_space<vmem>>, vector<1x4096xf32>
    tpu.vector_store %arg2[%swap3A, %swap3A_14], %add3A_13 {strides = array<i32>} : memref<1x4096xf32, #tpu.memory_space<vmem>>, vector<1x4096xf32>,
    return
  }
  func.func @transform_0(%arg0: i32) -> (i32, i32) {
    %c0_i32 = arith.constant 0 : i32
    %c0_i32_0 = arith.constant 0 : i32
    return %arg0, %c0_i32 : i32, i32
  }
  func.func @transform_1(%arg0: i32) -> (i32, i32) {
    %c0_i32 = arith.constant 0 : i32
    %c0_i32_0 = arith.constant 0 : i32
    return %c0_i32, %arg0 : i32, i32
  }
}

module attributes {stable_mosaic.version = 14 : i64} {
  func.func @_vq2_body(%arg0: i32, %arg1: memref<256x256xf32, #tpu.memory_space<vmem>>, %arg2: memref<16384x256xbf16, #tpu.memory_space<vmem>>, %arg3: memref<1x16384xf32, #tpu.memory_space<vmem>>, %arg4: memref<1x8192xf32, #tpu.memory_space<vmem>>, %arg5: memref<1x1x256xi32, #tpu.memory_space<vmem>>, %arg6: memref<1x1x256xi32, #tpu.memory_space<vmem>>) attributes {dimension_semantics = [#tpu.dimension_semantics<arbitrary>], iteration_bounds = array<i64: 32>, scalar_prefetch = 0 : i64, scratch_operands = 0 : i64, tpu.core_type = #tpu.core_type<tc>, window_params = [{transform_indices = @transform_0, window_bounds = array<i64: 256, 256>}, {pipeline_mode = #tpu.pipeline_mode<synchronous>, transform_indices = @transform_1, window_bounds = array<i64: 16384, 256>}, {pipeline_mode = #tpu.pipeline_mode<synchronous>, transform_indices = @transform_2, window_bounds = array<i64: 1, 16384>}, {pipeline_mode = #tpu.pipeline_mode<synchronous>, transform_indices = @transform_3, window_bounds = array<i64: 1, 8192>}, {transform_indices = @transform_4, window_bounds = array<i64: 1, 1, 256>}, {transform_indices = @transform_5, window_bounds = array<i64: 1, 1, 256>}]} {
    %get3A = arith.constant 0 : index
    %get3A_0 = arith.constant 0 : index
    %get3A_1 = vector.load %arg1[%get3A, %get3A_0] : memref<256x256xf32, #tpu.memory_space<vmem>>, vector<256x256xf32>
    %mul3A = arith.mulf %get3A_1, %get3A_1 : vector<256x256xf32>
    %reduce_sum3A = arith.constant dense<0.000000e+00> : vector<256xf32>
    %reduce_sum3A_2 = vector.multi_reduction <add>, %mul3A, %reduce_sum3A [1] : vector<256x256xf32> to vector<256xf32>
    %broadcast_in_dim3A = vector.shape_cast %reduce_sum3A_2 : vector<256xf32> to vector<256x1xf32>
    %convert_element_type3A = arith.truncf %get3A_1 : vector<256x256xf32> to vector<256x256xbf16>
    %get3A_3 = arith.constant 0 : index
    %get3A_4 = arith.constant 0 : index
    %get3A_5 = vector.load %arg2[%get3A_3, %get3A_4] : memref<16384x256xbf16, #tpu.memory_space<vmem>>, vector<16384x256xbf16>
    %dot_general3A = arith.constant dense<0.000000e+00> : vector<256x16384xf32>
    %dot_general3A_6 = tpu.matmul %convert_element_type3A, %get3A_5, %dot_general3A {dimension_numbers = #tpu.dot_dimension_numbers<[1], [1], [0], [0], [0, 0, 1, 0], [], []>, transpose_lhs_hint = false} : vector<256x256xbf16>, vector<16384x256xbf16>, vector<256x16384xf32> -> vector<256x16384xf32>
    %add3A = vector.broadcast %broadcast_in_dim3A : vector<256x1xf32> to vector<256x16384xf32>
    %add3A_7 = arith.addf %add3A, %dot_general3A_6 : vector<256x16384xf32>
    %get3A_8 = arith.constant 0 : index
    %get3A_9 = arith.constant 0 : index
    %get3A_10 = vector.load %arg3[%get3A_8, %get3A_9] : memref<1x16384xf32, #tpu.memory_space<vmem>>, vector<1x16384xf32>
    %add3A_11 = vector.broadcast %get3A_10 : vector<1x16384xf32> to vector<256x16384xf32>
    %add3A_12 = arith.addf %add3A_7, %add3A_11 : vector<256x16384xf32>
    %get3A_13 = arith.constant 0 : index
    %get3A_14 = arith.constant 0 : index
    %get3A_15 = vector.load %arg4[%get3A_13, %get3A_14] : memref<1x8192xf32, #tpu.memory_space<vmem>>, vector<1x8192xf32>
    %slice3A = vector.extract_strided_slice %add3A_12 {offsets = [0, 0], sizes = [256, 8192], strides = [1, 1]} : vector<256x16384xf32> to vector<256x8192xf32>
    %slice3A_16 = vector.extract_strided_slice %add3A_12 {offsets = [0, 8192], sizes = [256, 8192], strides = [1, 1]} : vector<256x16384xf32> to vector<256x8192xf32>
    %reduce_min3A = arith.constant dense<0x7F800000> : vector<256xf32>
    %reduce_min3A_17 = vector.multi_reduction <minimumf>, %slice3A, %reduce_min3A [1] : vector<256x8192xf32> to vector<256xf32>
    %broadcast_in_dim3A_18 = vector.shape_cast %reduce_min3A_17 : vector<256xf32> to vector<256x1xf32>
    %eq3A = vector.broadcast %broadcast_in_dim3A_18 : vector<256x1xf32> to vector<256x8192xf32>
    %eq3A_19 = arith.cmpf oeq, %slice3A, %eq3A : vector<256x8192xf32>
    %jit3A = arith.constant 8.192000e+03 : f32
    %broadcast_in_dim3A_20 = vector.shape_cast %get3A_15 : vector<1x8192xf32> to vector<1x8192xf32>
    %broadcast_in_dim3A_21 = vector.broadcast %broadcast_in_dim3A_20 : vector<1x8192xf32> to vector<256x8192xf32>
    %broadcast_in_dim3A_22 = vector.broadcast %jit3A : f32 to vector<256x8192xf32>
    %select_n3A = arith.select %eq3A_19, %broadcast_in_dim3A_21, %broadcast_in_dim3A_22 : vector<256x8192xi1>, vector<256x8192xf32>
    %reduce_min3A_23 = arith.constant dense<0x7F800000> : vector<256xf32>
    %reduce_min3A_24 = vector.multi_reduction <minimumf>, %select_n3A, %reduce_min3A_23 [1] : vector<256x8192xf32> to vector<256xf32>
    %convert_element_type3A_25 = arith.fptosi %reduce_min3A_24 : vector<256xf32> to vector<256xi32>
    %swap3A = arith.constant 0 : index
    %swap3A_26 = arith.constant 0 : index
    %swap3A_27 = arith.constant 0 : index
    %swap3A_28 = vector.load %arg5[%swap3A, %swap3A_26, %swap3A_27] : memref<1x1x256xi32, #tpu.memory_space<vmem>>, vector<1x1x256xi32>
    %swap3A_29 = vector.shape_cast %swap3A_28 : vector<1x1x256xi32> to vector<256xi32>
    %swap3A_30 = vector.shape_cast %convert_element_type3A_25 : vector<256xi32> to vector<1x1x256xi32>
    tpu.vector_store %arg5[%swap3A, %swap3A_26, %swap3A_27], %swap3A_30 {strides = array<i32>} : memref<1x1x256xi32, #tpu.memory_space<vmem>>, vector<1x1x256xi32>,
    %reduce_min3A_31 = arith.constant dense<0x7F800000> : vector<256xf32>
    %reduce_min3A_32 = vector.multi_reduction <minimumf>, %slice3A_16, %reduce_min3A_31 [1] : vector<256x8192xf32> to vector<256xf32>
    %broadcast_in_dim3A_33 = vector.shape_cast %reduce_min3A_32 : vector<256xf32> to vector<256x1xf32>
    %eq3A_34 = vector.broadcast %broadcast_in_dim3A_33 : vector<256x1xf32> to vector<256x8192xf32>
    %eq3A_35 = arith.cmpf oeq, %slice3A_16, %eq3A_34 : vector<256x8192xf32>
    %jit3A_36 = arith.constant 8.192000e+03 : f32
    %broadcast_in_dim3A_37 = vector.shape_cast %get3A_15 : vector<1x8192xf32> to vector<1x8192xf32>
    %broadcast_in_dim3A_38 = vector.broadcast %broadcast_in_dim3A_37 : vector<1x8192xf32> to vector<256x8192xf32>
    %broadcast_in_dim3A_39 = vector.broadcast %jit3A_36 : f32 to vector<256x8192xf32>
    %select_n3A_40 = arith.select %eq3A_35, %broadcast_in_dim3A_38, %broadcast_in_dim3A_39 : vector<256x8192xi1>, vector<256x8192xf32>
    %reduce_min3A_41 = arith.constant dense<0x7F800000> : vector<256xf32>
    %reduce_min3A_42 = vector.multi_reduction <minimumf>, %select_n3A_40, %reduce_min3A_41 [1] : vector<256x8192xf32> to vector<256xf32>
    %convert_element_type3A_43 = arith.fptosi %reduce_min3A_42 : vector<256xf32> to vector<256xi32>
    %swap3A_44 = arith.constant 0 : index
    %swap3A_45 = arith.constant 0 : index
    %swap3A_46 = arith.constant 0 : index
    %swap3A_47 = vector.load %arg6[%swap3A_44, %swap3A_45, %swap3A_46] : memref<1x1x256xi32, #tpu.memory_space<vmem>>, vector<1x1x256xi32>
    %swap3A_48 = vector.shape_cast %swap3A_47 : vector<1x1x256xi32> to vector<256xi32>
    %swap3A_49 = vector.shape_cast %convert_element_type3A_43 : vector<256xi32> to vector<1x1x256xi32>
    tpu.vector_store %arg6[%swap3A_44, %swap3A_45, %swap3A_46], %swap3A_49 {strides = array<i32>} : memref<1x1x256xi32, #tpu.memory_space<vmem>>, vector<1x1x256xi32>,
    return
  }
  func.func @transform_0(%arg0: i32) -> (i32, i32) {
    %c0_i32 = arith.constant 0 : i32
    %c0_i32_0 = arith.constant 0 : i32
    return %arg0, %c0_i32 : i32, i32
  }
  func.func @transform_1(%arg0: i32) -> (i32, i32) {
    %c0_i32 = arith.constant 0 : i32
    %c0_i32_0 = arith.constant 0 : i32
    %c0_i32_1 = arith.constant 0 : i32
    return %c0_i32, %c0_i32_0 : i32, i32
  }
  func.func @transform_2(%arg0: i32) -> (i32, i32) {
    %c0_i32 = arith.constant 0 : i32
    %c0_i32_0 = arith.constant 0 : i32
    %c0_i32_1 = arith.constant 0 : i32
    return %c0_i32, %c0_i32_0 : i32, i32
  }
  func.func @transform_3(%arg0: i32) -> (i32, i32) {
    %c0_i32 = arith.constant 0 : i32
    %c0_i32_0 = arith.constant 0 : i32
    %c0_i32_1 = arith.constant 0 : i32
    return %c0_i32, %c0_i32_0 : i32, i32
  }
  func.func @transform_4(%arg0: i32) -> (i32, i32, i32) {
    %c0_i32 = arith.constant 0 : i32
    %c0_i32_0 = arith.constant 0 : i32
    %c0_i32_1 = arith.constant 0 : i32
    return %arg0, %c0_i32, %c0_i32_0 : i32, i32, i32
  }
  func.func @transform_5(%arg0: i32) -> (i32, i32, i32) {
    %c0_i32 = arith.constant 0 : i32
    %c0_i32_0 = arith.constant 0 : i32
    %c0_i32_1 = arith.constant 0 : i32
    return %arg0, %c0_i32, %c0_i32_0 : i32, i32, i32
  }
}

module attributes {stable_mosaic.version = 14 : i64} {
  func.func @_mm1_body(%arg0: i32, %arg1: memref<1024x256xf32, #tpu.memory_space<vmem>>, %arg2: memref<1024x256xf32, #tpu.memory_space<vmem>>, %arg3: memref<1024x256xf32, #tpu.memory_space<vmem>>, %arg4: memref<256x512xf32, #tpu.memory_space<vmem>>, %arg5: memref<1x256xf32, #tpu.memory_space<vmem>>, %arg6: memref<1024x256xf32, #tpu.memory_space<vmem>>, %arg7: memref<1x2x256xf32, #tpu.memory_space<vmem>>) attributes {dimension_semantics = [#tpu.dimension_semantics<arbitrary>], iteration_bounds = array<i64: 8>, scalar_prefetch = 0 : i64, scratch_operands = 0 : i64, tpu.core_type = #tpu.core_type<tc>, window_params = [{transform_indices = @transform_0, window_bounds = array<i64: 1024, 256>}, {transform_indices = @transform_1, window_bounds = array<i64: 1024, 256>}, {transform_indices = @transform_2, window_bounds = array<i64: 1024, 256>}, {pipeline_mode = #tpu.pipeline_mode<synchronous>, transform_indices = @transform_3, window_bounds = array<i64: 256, 512>}, {pipeline_mode = #tpu.pipeline_mode<synchronous>, transform_indices = @transform_4, window_bounds = array<i64: 1, 256>}, {transform_indices = @transform_5, window_bounds = array<i64: 1024, 256>}, {transform_indices = @transform_6, window_bounds = array<i64: 1, 2, 256>}]} {
    %get3A = arith.constant 0 : index
    %get3A_0 = arith.constant 0 : index
    %get3A_1 = vector.load %arg1[%get3A, %get3A_0] : memref<1024x256xf32, #tpu.memory_space<vmem>>, vector<1024x256xf32>
    %get3A_2 = arith.constant 0 : index
    %get3A_3 = arith.constant 0 : index
    %get3A_4 = vector.load %arg2[%get3A_2, %get3A_3] : memref<1024x256xf32, #tpu.memory_space<vmem>>, vector<1024x256xf32>
    %get3A_5 = arith.constant 0 : index
    %get3A_6 = arith.constant 0 : index
    %get3A_7 = vector.load %arg3[%get3A_5, %get3A_6] : memref<1024x256xf32, #tpu.memory_space<vmem>>, vector<1024x256xf32>
    %sub3A = arith.subf %get3A_4, %get3A_1 : vector<1024x256xf32>
    %add3A = arith.addf %get3A_1, %sub3A : vector<1024x256xf32>
    %sub3A_8 = arith.subf %get3A_7, %get3A_1 : vector<1024x256xf32>
    %add3A_9 = arith.addf %get3A_1, %sub3A_8 : vector<1024x256xf32>
    %concatenate3A = tpu.concatenate %add3A, %add3A_9 in 1 : vector<1024x256xf32>, vector<1024x256xf32> -> vector<1024x512xf32>
    %get3A_10 = arith.constant 0 : index
    %get3A_11 = arith.constant 0 : index
    %get3A_12 = vector.load %arg4[%get3A_10, %get3A_11] : memref<256x512xf32, #tpu.memory_space<vmem>>, vector<256x512xf32>
    %convert_element_type3A = arith.truncf %concatenate3A : vector<1024x512xf32> to vector<1024x512xbf16>
    %convert_element_type3A_13 = arith.truncf %get3A_12 : vector<256x512xf32> to vector<256x512xbf16>
    %dot_general3A = arith.constant dense<0.000000e+00> : vector<1024x256xf32>
    %dot_general3A_14 = tpu.matmul %convert_element_type3A, %convert_element_type3A_13, %dot_general3A {dimension_numbers = #tpu.dot_dimension_numbers<[1], [1], [0], [0], [0, 0, 1, 0], [], []>, transpose_lhs_hint = false} : vector<1024x512xbf16>, vector<256x512xbf16>, vector<1024x256xf32> -> vector<1024x256xf32>
    %get3A_15 = arith.constant 0 : index
    %get3A_16 = arith.constant 0 : index
    %get3A_17 = vector.load %arg5[%get3A_15, %get3A_16] : memref<1x256xf32, #tpu.memory_space<vmem>>, vector<1x256xf32>
    %add3A_18 = vector.broadcast %get3A_17 : vector<1x256xf32> to vector<1024x256xf32>
    %add3A_19 = arith.addf %dot_general3A_14, %add3A_18 : vector<1024x256xf32>
    %swap3A = arith.constant 0 : index
    %swap3A_20 = arith.constant 0 : index
    %swap3A_21 = vector.load %arg6[%swap3A, %swap3A_20] : memref<1024x256xf32, #tpu.memory_space<vmem>>, vector<1024x256xf32>
    tpu.vector_store %arg6[%swap3A, %swap3A_20], %add3A_19 {strides = array<i32>} : memref<1024x256xf32, #tpu.memory_space<vmem>>, vector<1024x256xf32>,
    %sub3A_22 = arith.subf %get3A_1, %get3A_4 : vector<1024x256xf32>
    %integer_pow3A = arith.mulf %sub3A_22, %sub3A_22 : vector<1024x256xf32>
    %reduce_sum3A = arith.constant dense<0.000000e+00> : vector<256xf32>
    %reduce_sum3A_23 = vector.multi_reduction <add>, %integer_pow3A, %reduce_sum3A [0] : vector<1024x256xf32> to vector<256xf32>
    %broadcast_in_dim3A = vector.shape_cast %reduce_sum3A_23 : vector<256xf32> to vector<1x256xf32>
    %sub3A_24 = arith.subf %get3A_1, %get3A_7 : vector<1024x256xf32>
    %integer_pow3A_25 = arith.mulf %sub3A_24, %sub3A_24 : vector<1024x256xf32>
    %reduce_sum3A_26 = arith.constant dense<0.000000e+00> : vector<256xf32>
    %reduce_sum3A_27 = vector.multi_reduction <add>, %integer_pow3A_25, %reduce_sum3A_26 [0] : vector<1024x256xf32> to vector<256xf32>
    %broadcast_in_dim3A_28 = vector.shape_cast %reduce_sum3A_27 : vector<256xf32> to vector<1x256xf32>
    %concatenate3A_29 = tpu.concatenate %broadcast_in_dim3A, %broadcast_in_dim3A_28 in 0 : vector<1x256xf32>, vector<1x256xf32> -> vector<2x256xf32>
    %broadcast_in_dim3A_30 = vector.shape_cast %concatenate3A_29 : vector<2x256xf32> to vector<1x2x256xf32>
    %swap3A_31 = arith.constant 0 : index
    %swap3A_32 = arith.constant 0 : index
    %swap3A_33 = arith.constant 0 : index
    %swap3A_34 = vector.load %arg7[%swap3A_31, %swap3A_32, %swap3A_33] : memref<1x2x256xf32, #tpu.memory_space<vmem>>, vector<1x2x256xf32>
    tpu.vector_store %arg7[%swap3A_31, %swap3A_32, %swap3A_33], %broadcast_in_dim3A_30 {strides = array<i32>} : memref<1x2x256xf32, #tpu.memory_space<vmem>>, vector<1x2x256xf32>,
    return
  }
  func.func @transform_0(%arg0: i32) -> (i32, i32) {
    %c0_i32 = arith.constant 0 : i32
    %c0_i32_0 = arith.constant 0 : i32
    return %arg0, %c0_i32 : i32, i32
  }
  func.func @transform_1(%arg0: i32) -> (i32, i32) {
    %c0_i32 = arith.constant 0 : i32
    %c0_i32_0 = arith.constant 0 : i32
    return %arg0, %c0_i32 : i32, i32
  }
  func.func @transform_2(%arg0: i32) -> (i32, i32) {
    %c0_i32 = arith.constant 0 : i32
    %c0_i32_0 = arith.constant 0 : i32
    return %arg0, %c0_i32 : i32, i32
  }
  func.func @transform_3(%arg0: i32) -> (i32, i32) {
    %c0_i32 = arith.constant 0 : i32
    %c0_i32_0 = arith.constant 0 : i32
    %c0_i32_1 = arith.constant 0 : i32
    return %c0_i32, %c0_i32_0 : i32, i32
  }
  func.func @transform_4(%arg0: i32) -> (i32, i32) {
    %c0_i32 = arith.constant 0 : i32
    %c0_i32_0 = arith.constant 0 : i32
    %c0_i32_1 = arith.constant 0 : i32
    return %c0_i32, %c0_i32_0 : i32, i32
  }
  func.func @transform_5(%arg0: i32) -> (i32, i32) {
    %c0_i32 = arith.constant 0 : i32
    %c0_i32_0 = arith.constant 0 : i32
    return %arg0, %c0_i32 : i32, i32
  }
  func.func @transform_6(%arg0: i32) -> (i32, i32, i32) {
    %c0_i32 = arith.constant 0 : i32
    %c0_i32_0 = arith.constant 0 : i32
    %c0_i32_1 = arith.constant 0 : i32
    return %arg0, %c0_i32, %c0_i32_0 : i32, i32, i32
  }
}

module attributes {stable_mosaic.version = 14 : i64} {
  func.func @_split3_body(%arg0: memref<4096x256xf32, #tpu.memory_space<vmem>>, %arg1: memref<4096x256xbf16, #tpu.memory_space<vmem>>, %arg2: memref<4096x256xbf16, #tpu.memory_space<vmem>>, %arg3: memref<4096x256xbf16, #tpu.memory_space<vmem>>) attributes {dimension_semantics = [], scalar_prefetch = 0 : i64, scratch_operands = 0 : i64, tpu.core_type = #tpu.core_type<tc>} {
    %get3A = arith.constant 0 : index
    %get3A_0 = arith.constant 0 : index
    %get3A_1 = vector.load %arg0[%get3A, %get3A_0] : memref<4096x256xf32, #tpu.memory_space<vmem>>, vector<4096x256xf32>
    %convert_element_type3A = arith.truncf %get3A_1 : vector<4096x256xf32> to vector<4096x256xbf16>
    %convert_element_type3A_2 = arith.extf %convert_element_type3A : vector<4096x256xbf16> to vector<4096x256xf32>
    %sub3A = arith.subf %get3A_1, %convert_element_type3A_2 : vector<4096x256xf32>
    %convert_element_type3A_3 = arith.truncf %sub3A : vector<4096x256xf32> to vector<4096x256xbf16>
    %convert_element_type3A_4 = arith.extf %convert_element_type3A_3 : vector<4096x256xbf16> to vector<4096x256xf32>
    %sub3A_5 = arith.subf %sub3A, %convert_element_type3A_4 : vector<4096x256xf32>
    %convert_element_type3A_6 = arith.truncf %sub3A_5 : vector<4096x256xf32> to vector<4096x256xbf16>
    %swap3A = arith.constant 0 : index
    %swap3A_7 = arith.constant 0 : index
    %swap3A_8 = vector.load %arg1[%swap3A, %swap3A_7] : memref<4096x256xbf16, #tpu.memory_space<vmem>>, vector<4096x256xbf16>
    tpu.vector_store %arg1[%swap3A, %swap3A_7], %convert_element_type3A {strides = array<i32>} : memref<4096x256xbf16, #tpu.memory_space<vmem>>, vector<4096x256xbf16>,
    %swap3A_9 = arith.constant 0 : index
    %swap3A_10 = arith.constant 0 : index
    %swap3A_11 = vector.load %arg2[%swap3A_9, %swap3A_10] : memref<4096x256xbf16, #tpu.memory_space<vmem>>, vector<4096x256xbf16>
    tpu.vector_store %arg2[%swap3A_9, %swap3A_10], %convert_element_type3A_3 {strides = array<i32>} : memref<4096x256xbf16, #tpu.memory_space<vmem>>, vector<4096x256xbf16>,
    %swap3A_12 = arith.constant 0 : index
    %swap3A_13 = arith.constant 0 : index
    %swap3A_14 = vector.load %arg3[%swap3A_12, %swap3A_13] : memref<4096x256xbf16, #tpu.memory_space<vmem>>, vector<4096x256xbf16>
    tpu.vector_store %arg3[%swap3A_12, %swap3A_13], %convert_element_type3A_6 {strides = array<i32>} : memref<4096x256xbf16, #tpu.memory_space<vmem>>, vector<4096x256xbf16>,
    return
  }
}

module attributes {stable_mosaic.version = 14 : i64} {
  func.func @_ln_gelu_mm2_body(%arg0: i32, %arg1: memref<1024x256xf32, #tpu.memory_space<vmem>>, %arg2: memref<1024x1xf32, #tpu.memory_space<vmem>>, %arg3: memref<1024x1xf32, #tpu.memory_space<vmem>>, %arg4: memref<1x256xf32, #tpu.memory_space<vmem>>, %arg5: memref<1x256xf32, #tpu.memory_space<vmem>>, %arg6: memref<256x256xf32, #tpu.memory_space<vmem>>, %arg7: memref<1x256xf32, #tpu.memory_space<vmem>>, %arg8: memref<1024x256xf32, #tpu.memory_space<vmem>>) attributes {dimension_semantics = [#tpu.dimension_semantics<arbitrary>], iteration_bounds = array<i64: 8>, scalar_prefetch = 0 : i64, scratch_operands = 0 : i64, tpu.core_type = #tpu.core_type<tc>, window_params = [{transform_indices = @transform_0, window_bounds = array<i64: 1024, 256>}, {transform_indices = @transform_1, window_bounds = array<i64: 1024, 1>}, {transform_indices = @transform_2, window_bounds = array<i64: 1024, 1>}, {pipeline_mode = #tpu.pipeline_mode<synchronous>, transform_indices = @transform_3, window_bounds = array<i64: 1, 256>}, {pipeline_mode = #tpu.pipeline_mode<synchronous>, transform_indices = @transform_4, window_bounds = array<i64: 1, 256>}, {pipeline_mode = #tpu.pipeline_mode<synchronous>, transform_indices = @transform_5, window_bounds = array<i64: 256, 256>}, {pipeline_mode = #tpu.pipeline_mode<synchronous>, transform_indices = @transform_6, window_bounds = array<i64: 1, 256>}, {transform_indices = @transform_7, window_bounds = array<i64: 1024, 256>}]} {
    %get3A = arith.constant 0 : index
    %get3A_0 = arith.constant 0 : index
    %get3A_1 = vector.load %arg1[%get3A, %get3A_0] : memref<1024x256xf32, #tpu.memory_space<vmem>>, vector<1024x256xf32>
    %get3A_2 = arith.constant 0 : index
    %get3A_3 = arith.constant 0 : index
    %get3A_4 = vector.load %arg2[%get3A_2, %get3A_3] : memref<1024x1xf32, #tpu.memory_space<vmem>>, vector<1024x1xf32>
    %sub3A = vector.broadcast %get3A_4 : vector<1024x1xf32> to vector<1024x256xf32>
    %sub3A_5 = arith.subf %get3A_1, %sub3A : vector<1024x256xf32>
    %get3A_6 = arith.constant 0 : index
    %get3A_7 = arith.constant 0 : index
    %get3A_8 = vector.load %arg3[%get3A_6, %get3A_7] : memref<1024x1xf32, #tpu.memory_space<vmem>>, vector<1024x1xf32>
    %add3A = arith.constant 9.99999974E-6 : f32
    %add3A_9 = vector.broadcast %add3A : f32 to vector<1024x1xf32>
    %add3A_10 = arith.addf %get3A_8, %add3A_9 : vector<1024x1xf32>
    %sqrt3A = math.sqrt %add3A_10 : vector<1024x1xf32>
    %div3A = vector.broadcast %sqrt3A : vector<1024x1xf32> to vector<1024x256xf32>
    %div3A_11 = arith.divf %sub3A_5, %div3A : vector<1024x256xf32>
    %get3A_12 = arith.constant 0 : index
    %get3A_13 = arith.constant 0 : index
    %get3A_14 = vector.load %arg4[%get3A_12, %get3A_13] : memref<1x256xf32, #tpu.memory_space<vmem>>, vector<1x256xf32>
    %mul3A = vector.broadcast %get3A_14 : vector<1x256xf32> to vector<1024x256xf32>
    %mul3A_15 = arith.mulf %div3A_11, %mul3A : vector<1024x256xf32>
    %get3A_16 = arith.constant 0 : index
    %get3A_17 = arith.constant 0 : index
    %get3A_18 = vector.load %arg5[%get3A_16, %get3A_17] : memref<1x256xf32, #tpu.memory_space<vmem>>, vector<1x256xf32>
    %add3A_19 = vector.broadcast %get3A_18 : vector<1x256xf32> to vector<1024x256xf32>
    %add3A_20 = arith.addf %mul3A_15, %add3A_19 : vector<1024x256xf32>
    %integer_pow3A = arith.mulf %add3A_20, %add3A_20 : vector<1024x256xf32>
    %integer_pow3A_21 = arith.mulf %add3A_20, %integer_pow3A : vector<1024x256xf32>
    %mul3A_22 = arith.constant 4.471500e-02 : f32
    %mul3A_23 = vector.broadcast %mul3A_22 : f32 to vector<1024x256xf32>
    %mul3A_24 = arith.mulf %mul3A_23, %integer_pow3A_21 : vector<1024x256xf32>
    %add3A_25 = arith.addf %add3A_20, %mul3A_24 : vector<1024x256xf32>
    %mul3A_26 = arith.constant 0.797884583 : f32
    %mul3A_27 = vector.broadcast %mul3A_26 : f32 to vector<1024x256xf32>
    %mul3A_28 = arith.mulf %mul3A_27, %add3A_25 : vector<1024x256xf32>
    %tanh3A = math.tanh %mul3A_28 : vector<1024x256xf32>
    %add3A_29 = arith.constant 1.000000e+00 : f32
    %add3A_30 = vector.broadcast %add3A_29 : f32 to vector<1024x256xf32>
    %add3A_31 = arith.addf %add3A_30, %tanh3A : vector<1024x256xf32>
    %mul3A_32 = arith.constant 5.000000e-01 : f32
    %mul3A_33 = vector.broadcast %mul3A_32 : f32 to vector<1024x256xf32>
    %mul3A_34 = arith.mulf %mul3A_33, %add3A_31 : vector<1024x256xf32>
    %mul3A_35 = arith.mulf %add3A_20, %mul3A_34 : vector<1024x256xf32>
    %get3A_36 = arith.constant 0 : index
    %get3A_37 = arith.constant 0 : index
    %get3A_38 = vector.load %arg6[%get3A_36, %get3A_37] : memref<256x256xf32, #tpu.memory_space<vmem>>, vector<256x256xf32>
    %convert_element_type3A = arith.truncf %mul3A_35 : vector<1024x256xf32> to vector<1024x256xbf16>
    %convert_element_type3A_39 = arith.truncf %get3A_38 : vector<256x256xf32> to vector<256x256xbf16>
    %dot_general3A = arith.constant dense<0.000000e+00> : vector<1024x256xf32>
    %dot_general3A_40 = tpu.matmul %convert_element_type3A, %convert_element_type3A_39, %dot_general3A {dimension_numbers = #tpu.dot_dimension_numbers<[1], [1], [0], [0], [0, 0, 1, 0], [], []>, transpose_lhs_hint = false} : vector<1024x256xbf16>, vector<256x256xbf16>, vector<1024x256xf32> -> vector<1024x256xf32>
    %get3A_41 = arith.constant 0 : index
    %get3A_42 = arith.constant 0 : index
    %get3A_43 = vector.load %arg7[%get3A_41, %get3A_42] : memref<1x256xf32, #tpu.memory_space<vmem>>, vector<1x256xf32>
    %add3A_44 = vector.broadcast %get3A_43 : vector<1x256xf32> to vector<1024x256xf32>
    %add3A_45 = arith.addf %dot_general3A_40, %add3A_44 : vector<1024x256xf32>
    %swap3A = arith.constant 0 : index
    %swap3A_46 = arith.constant 0 : index
    %swap3A_47 = vector.load %arg8[%swap3A, %swap3A_46] : memref<1024x256xf32, #tpu.memory_space<vmem>>, vector<1024x256xf32>
    tpu.vector_store %arg8[%swap3A, %swap3A_46], %add3A_45 {strides = array<i32>} : memref<1024x256xf32, #tpu.memory_space<vmem>>, vector<1024x256xf32>,
    return
  }
  func.func @transform_0(%arg0: i32) -> (i32, i32) {
    %c0_i32 = arith.constant 0 : i32
    %c0_i32_0 = arith.constant 0 : i32
    return %arg0, %c0_i32 : i32, i32
  }
  func.func @transform_1(%arg0: i32) -> (i32, i32) {
    %c0_i32 = arith.constant 0 : i32
    %c0_i32_0 = arith.constant 0 : i32
    return %arg0, %c0_i32 : i32, i32
  }
  func.func @transform_2(%arg0: i32) -> (i32, i32) {
    %c0_i32 = arith.constant 0 : i32
    %c0_i32_0 = arith.constant 0 : i32
    return %arg0, %c0_i32 : i32, i32
  }
  func.func @transform_3(%arg0: i32) -> (i32, i32) {
    %c0_i32 = arith.constant 0 : i32
    %c0_i32_0 = arith.constant 0 : i32
    %c0_i32_1 = arith.constant 0 : i32
    return %c0_i32, %c0_i32_0 : i32, i32
  }
  func.func @transform_4(%arg0: i32) -> (i32, i32) {
    %c0_i32 = arith.constant 0 : i32
    %c0_i32_0 = arith.constant 0 : i32
    %c0_i32_1 = arith.constant 0 : i32
    return %c0_i32, %c0_i32_0 : i32, i32
  }
  func.func @transform_5(%arg0: i32) -> (i32, i32) {
    %c0_i32 = arith.constant 0 : i32
    %c0_i32_0 = arith.constant 0 : i32
    %c0_i32_1 = arith.constant 0 : i32
    return %c0_i32, %c0_i32_0 : i32, i32
  }
  func.func @transform_6(%arg0: i32) -> (i32, i32) {
    %c0_i32 = arith.constant 0 : i32
    %c0_i32_0 = arith.constant 0 : i32
    %c0_i32_1 = arith.constant 0 : i32
    return %c0_i32, %c0_i32_0 : i32, i32
  }
  func.func @transform_7(%arg0: i32) -> (i32, i32) {
    %c0_i32 = arith.constant 0 : i32
    %c0_i32_0 = arith.constant 0 : i32
    return %arg0, %c0_i32 : i32, i32
  }
}

module attributes {stable_mosaic.version = 14 : i64} {
  func.func @_rvq_body(%arg0: i32, %arg1: memref<1024x256xf32, #tpu.memory_space<vmem>>, %arg2: memref<1024x1xf32, #tpu.memory_space<vmem>>, %arg3: memref<1024x1xf32, #tpu.memory_space<vmem>>, %arg4: memref<1x256xf32, #tpu.memory_space<vmem>>, %arg5: memref<1x256xf32, #tpu.memory_space<vmem>>, %arg6: memref<4x1024x256xbf16, #tpu.memory_space<vmem>>, %arg7: memref<4x1024x256xbf16, #tpu.memory_space<vmem>>, %arg8: memref<4x1024x256xbf16, #tpu.memory_space<vmem>>, %arg9: memref<4x1x1024xf32, #tpu.memory_space<vmem>>, %arg10: memref<1x1024xf32, #tpu.memory_space<vmem>>, %arg11: memref<256x256xf32, #tpu.memory_space<vmem>>, %arg12: memref<1x256xf32, #tpu.memory_space<vmem>>, %arg13: memref<1024x256xf32, #tpu.memory_space<vmem>>, %arg14: memref<1x1x1024xi32, #tpu.memory_space<vmem>>, %arg15: memref<1x1x1024xi32, #tpu.memory_space<vmem>>, %arg16: memref<1x1x1024xi32, #tpu.memory_space<vmem>>, %arg17: memref<1x1x1024xi32, #tpu.memory_space<vmem>>, %arg18: memref<1x4x256xf32, #tpu.memory_space<vmem>>) attributes {dimension_semantics = [#tpu.dimension_semantics<arbitrary>], iteration_bounds = array<i64: 8>, scalar_prefetch = 0 : i64, scratch_operands = 0 : i64, tpu.core_type = #tpu.core_type<tc>, window_params = [{transform_indices = @transform_0, window_bounds = array<i64: 1024, 256>}, {transform_indices = @transform_1, window_bounds = array<i64: 1024, 1>}, {transform_indices = @transform_2, window_bounds = array<i64: 1024, 1>}, {pipeline_mode = #tpu.pipeline_mode<synchronous>, transform_indices = @transform_3, window_bounds = array<i64: 1, 256>}, {pipeline_mode = #tpu.pipeline_mode<synchronous>, transform_indices = @transform_4, window_bounds = array<i64: 1, 256>}, {pipeline_mode = #tpu.pipeline_mode<synchronous>, transform_indices = @transform_5, window_bounds = array<i64: 4, 1024, 256>}, {pipeline_mode = #tpu.pipeline_mode<synchronous>, transform_indices = @transform_6, window_bounds = array<i64: 4, 1024, 256>}, {pipeline_mode = #tpu.pipeline_mode<synchronous>, transform_indices = @transform_7, window_bounds = array<i64: 4, 1024, 256>}, {pipeline_mode = #tpu.pipeline_mode<synchronous>, transform_indices = @transform_8, window_bounds = array<i64: 4, 1, 1024>}, {pipeline_mode = #tpu.pipeline_mode<synchronous>, transform_indices = @transform_9, window_bounds = array<i64: 1, 1024>}, {pipeline_mode = #tpu.pipeline_mode<synchronous>, transform_indices = @transform_10, window_bounds = array<i64: 256, 256>}, {pipeline_mode = #tpu.pipeline_mode<synchronous>, transform_indices = @transform_11, window_bounds = array<i64: 1, 256>}, {transform_indices = @transform_12, window_bounds = array<i64: 1024, 256>}, {transform_indices = @transform_13, window_bounds = array<i64: 1, 1, 1024>}, {transform_indices = @transform_14, window_bounds = array<i64: 1, 1, 1024>}, {transform_indices = @transform_15, window_bounds = array<i64: 1, 1, 1024>}, {transform_indices = @transform_16, window_bounds = array<i64: 1, 1, 1024>}, {transform_indices = @transform_17, window_bounds = array<i64: 1, 4, 256>}]} {
    %get3A = arith.constant 0 : index
    %get3A_0 = arith.constant 0 : index
    %get3A_1 = vector.load %arg1[%get3A, %get3A_0] : memref<1024x256xf32, #tpu.memory_space<vmem>>, vector<1024x256xf32>
    %get3A_2 = arith.constant 0 : index
    %get3A_3 = arith.constant 0 : index
    %get3A_4 = vector.load %arg2[%get3A_2, %get3A_3] : memref<1024x1xf32, #tpu.memory_space<vmem>>, vector<1024x1xf32>
    %sub3A = vector.broadcast %get3A_4 : vector<1024x1xf32> to vector<1024x256xf32>
    %sub3A_5 = arith.subf %get3A_1, %sub3A : vector<1024x256xf32>
    %get3A_6 = arith.constant 0 : index
    %get3A_7 = arith.constant 0 : index
    %get3A_8 = vector.load %arg3[%get3A_6, %get3A_7] : memref<1024x1xf32, #tpu.memory_space<vmem>>, vector<1024x1xf32>
    %add3A = arith.constant 9.99999974E-6 : f32
    %add3A_9 = vector.broadcast %add3A : f32 to vector<1024x1xf32>
    %add3A_10 = arith.addf %get3A_8, %add3A_9 : vector<1024x1xf32>
    %sqrt3A = math.sqrt %add3A_10 : vector<1024x1xf32>
    %div3A = vector.broadcast %sqrt3A : vector<1024x1xf32> to vector<1024x256xf32>
    %div3A_11 = arith.divf %sub3A_5, %div3A : vector<1024x256xf32>
    %get3A_12 = arith.constant 0 : index
    %get3A_13 = arith.constant 0 : index
    %get3A_14 = vector.load %arg4[%get3A_12, %get3A_13] : memref<1x256xf32, #tpu.memory_space<vmem>>, vector<1x256xf32>
    %mul3A = vector.broadcast %get3A_14 : vector<1x256xf32> to vector<1024x256xf32>
    %mul3A_15 = arith.mulf %div3A_11, %mul3A : vector<1024x256xf32>
    %get3A_16 = arith.constant 0 : index
    %get3A_17 = arith.constant 0 : index
    %get3A_18 = vector.load %arg5[%get3A_16, %get3A_17] : memref<1x256xf32, #tpu.memory_space<vmem>>, vector<1x256xf32>
    %add3A_19 = vector.broadcast %get3A_18 : vector<1x256xf32> to vector<1024x256xf32>
    %add3A_20 = arith.addf %mul3A_15, %add3A_19 : vector<1024x256xf32>
    %broadcast_in_dim3A = arith.constant 0.000000e+00 : f32
    %broadcast_in_dim3A_21 = vector.broadcast %broadcast_in_dim3A : f32 to vector<1024x256xf32>
    %get3A_22 = arith.constant 0 : index
    %get3A_23 = arith.constant 0 : index
    %get3A_24 = arith.constant 0 : index
    %get3A_25 = vector.load %arg6[%get3A_22, %get3A_23, %get3A_24] : memref<4x1024x256xbf16, #tpu.memory_space<vmem>>, vector<1x1024x256xbf16>
    %get3A_26 = vector.shape_cast %get3A_25 : vector<1x1024x256xbf16> to vector<1024x256xbf16>
    %get3A_27 = arith.constant 0 : index
    %get3A_28 = arith.constant 0 : index
    %get3A_29 = arith.constant 0 : index
    %get3A_30 = vector.load %arg7[%get3A_27, %get3A_28, %get3A_29] : memref<4x1024x256xbf16, #tpu.memory_space<vmem>>, vector<1x1024x256xbf16>
    %get3A_31 = vector.shape_cast %get3A_30 : vector<1x1024x256xbf16> to vector<1024x256xbf16>
    %get3A_32 = arith.constant 0 : index
    %get3A_33 = arith.constant 0 : index
    %get3A_34 = arith.constant 0 : index
    %get3A_35 = vector.load %arg8[%get3A_32, %get3A_33, %get3A_34] : memref<4x1024x256xbf16, #tpu.memory_space<vmem>>, vector<1x1024x256xbf16>
    %get3A_36 = vector.shape_cast %get3A_35 : vector<1x1024x256xbf16> to vector<1024x256xbf16>
    %mul3A_37 = arith.mulf %add3A_20, %add3A_20 : vector<1024x256xf32>
    %reduce_sum3A = arith.constant dense<0.000000e+00> : vector<1024xf32>
    %reduce_sum3A_38 = vector.multi_reduction <add>, %mul3A_37, %reduce_sum3A [1] : vector<1024x256xf32> to vector<1024xf32>
    %broadcast_in_dim3A_39 = vector.shape_cast %reduce_sum3A_38 : vector<1024xf32> to vector<1024x1xf32>
    %convert_element_type3A = arith.truncf %add3A_20 : vector<1024x256xf32> to vector<1024x256xbf16>
    %dot_general3A = arith.constant dense<0.000000e+00> : vector<1024x1024xf32>
    %dot_general3A_40 = tpu.matmul %convert_element_type3A, %get3A_26, %dot_general3A {dimension_numbers = #tpu.dot_dimension_numbers<[1], [1], [0], [0], [0, 0, 1, 0], [], []>, transpose_lhs_hint = false} : vector<1024x256xbf16>, vector<1024x256xbf16>, vector<1024x1024xf32> -> vector<1024x1024xf32>
    %mul3A_41 = arith.constant 2.000000e+00 : f32
    %mul3A_42 = vector.broadcast %mul3A_41 : f32 to vector<1024x1024xf32>
    %mul3A_43 = arith.mulf %mul3A_42, %dot_general3A_40 : vector<1024x1024xf32>
    %sub3A_44 = vector.broadcast %broadcast_in_dim3A_39 : vector<1024x1xf32> to vector<1024x1024xf32>
    %sub3A_45 = arith.subf %sub3A_44, %mul3A_43 : vector<1024x1024xf32>
    %get3A_46 = arith.constant 0 : index
    %get3A_47 = arith.constant 0 : index
    %get3A_48 = arith.constant 0 : index
    %get3A_49 = vector.load %arg9[%get3A_46, %get3A_47, %get3A_48] : memref<4x1x1024xf32, #tpu.memory_space<vmem>>, vector<1x1x1024xf32>
    %get3A_50 = vector.shape_cast %get3A_49 : vector<1x1x1024xf32> to vector<1x1024xf32>
    %add3A_51 = vector.broadcast %get3A_50 : vector<1x1024xf32> to vector<1024x1024xf32>
    %add3A_52 = arith.addf %sub3A_45, %add3A_51 : vector<1024x1024xf32>
    %reduce_min3A = arith.constant dense<0x7F800000> : vector<1024xf32>
    %reduce_min3A_53 = vector.multi_reduction <minimumf>, %add3A_52, %reduce_min3A [1] : vector<1024x1024xf32> to vector<1024xf32>
    %broadcast_in_dim3A_54 = vector.shape_cast %reduce_min3A_53 : vector<1024xf32> to vector<1024x1xf32>
    %get3A_55 = arith.constant 0 : index
    %get3A_56 = arith.constant 0 : index
    %get3A_57 = vector.load %arg10[%get3A_55, %get3A_56] : memref<1x1024xf32, #tpu.memory_space<vmem>>, vector<1x1024xf32>
    %eq3A = vector.broadcast %broadcast_in_dim3A_54 : vector<1024x1xf32> to vector<1024x1024xf32>
    %eq3A_58 = arith.cmpf oeq, %add3A_52, %eq3A : vector<1024x1024xf32>
    %jit3A = arith.constant 1.024000e+03 : f32
    %broadcast_in_dim3A_59 = vector.shape_cast %get3A_57 : vector<1x1024xf32> to vector<1x1024xf32>
    %broadcast_in_dim3A_60 = vector.broadcast %broadcast_in_dim3A_59 : vector<1x1024xf32> to vector<1024x1024xf32>
    %broadcast_in_dim3A_61 = vector.broadcast %jit3A : f32 to vector<1024x1024xf32>
    %select_n3A = arith.select %eq3A_58, %broadcast_in_dim3A_60, %broadcast_in_dim3A_61 : vector<1024x1024xi1>, vector<1024x1024xf32>
    %reduce_min3A_62 = arith.constant dense<0x7F800000> : vector<1024xf32>
    %reduce_min3A_63 = vector.multi_reduction <minimumf>, %select_n3A, %reduce_min3A_62 [1] : vector<1024x1024xf32> to vector<1024xf32>
    %convert_element_type3A_64 = arith.fptosi %reduce_min3A_63 : vector<1024xf32> to vector<1024xi32>
    %swap3A = arith.constant 0 : index
    %swap3A_65 = arith.constant 0 : index
    %swap3A_66 = arith.constant 0 : index
    %swap3A_67 = vector.load %arg14[%swap3A, %swap3A_65, %swap3A_66] : memref<1x1x1024xi32, #tpu.memory_space<vmem>>, vector<1x1x1024xi32>
    %swap3A_68 = vector.shape_cast %swap3A_67 : vector<1x1x1024xi32> to vector<1024xi32>
    %swap3A_69 = vector.shape_cast %convert_element_type3A_64 : vector<1024xi32> to vector<1x1x1024xi32>
    tpu.vector_store %arg14[%swap3A, %swap3A_65, %swap3A_66], %swap3A_69 {strides = array<i32>} : memref<1x1x1024xi32, #tpu.memory_space<vmem>>, vector<1x1x1024xi32>,
    %broadcast_in_dim3A_70 = vector.shape_cast %reduce_min3A_63 : vector<1024xf32> to vector<1024x1xf32>
    %eq3A_71 = vector.broadcast %get3A_57 : vector<1x1024xf32> to vector<1024x1024xf32>
    %eq3A_72 = vector.broadcast %broadcast_in_dim3A_70 : vector<1024x1xf32> to vector<1024x1024xf32>
    %eq3A_73 = arith.cmpf oeq, %eq3A_71, %eq3A_72 : vector<1024x1024xf32>
    %convert_element_type3A_74 = arith.extui %eq3A_73 : vector<1024x1024xi1> to vector<1024x1024xi32>
    %convert_element_type3A_75 = arith.sitofp %convert_element_type3A_74 : vector<1024x1024xi32> to vector<1024x1024xf32>
    %convert_element_type3A_76 = arith.truncf %convert_element_type3A_75 : vector<1024x1024xf32> to vector<1024x1024xbf16>
    %dot_general3A_77 = arith.constant dense<0.000000e+00> : vector<1024x256xf32>
    %dot_general3A_78 = tpu.matmul %convert_element_type3A_76, %get3A_26, %dot_general3A_77 {dimension_numbers = #tpu.dot_dimension_numbers<[1], [0], [0], [1], [0, 0, 1, 1], [], []>, transpose_lhs_hint = false} : vector<1024x1024xbf16>, vector<1024x256xbf16>, vector<1024x256xf32> -> vector<1024x256xf32>
    %dot_general3A_79 = arith.constant dense<0.000000e+00> : vector<1024x256xf32>
    %dot_general3A_80 = tpu.matmul %convert_element_type3A_76, %get3A_31, %dot_general3A_79 {dimension_numbers = #tpu.dot_dimension_numbers<[1], [0], [0], [1], [0, 0, 1, 1], [], []>, transpose_lhs_hint = false} : vector<1024x1024xbf16>, vector<1024x256xbf16>, vector<1024x256xf32> -> vector<1024x256xf32>
    %add3A_81 = arith.addf %dot_general3A_78, %dot_general3A_80 : vector<1024x256xf32>
    %dot_general3A_82 = arith.constant dense<0.000000e+00> : vector<1024x256xf32>
    %dot_general3A_83 = tpu.matmul %convert_element_type3A_76, %get3A_36, %dot_general3A_82 {dimension_numbers = #tpu.dot_dimension_numbers<[1], [0], [0], [1], [0, 0, 1, 1], [], []>, transpose_lhs_hint = false} : vector<1024x1024xbf16>, vector<1024x256xbf16>, vector<1024x256xf32> -> vector<1024x256xf32>
    %add3A_84 = arith.addf %add3A_81, %dot_general3A_83 : vector<1024x256xf32>
    %sub3A_85 = arith.subf %add3A_20, %add3A_84 : vector<1024x256xf32>
    %integer_pow3A = arith.mulf %sub3A_85, %sub3A_85 : vector<1024x256xf32>
    %reduce_sum3A_86 = arith.constant dense<0.000000e+00> : vector<256xf32>
    %reduce_sum3A_87 = vector.multi_reduction <add>, %integer_pow3A, %reduce_sum3A_86 [0] : vector<1024x256xf32> to vector<256xf32>
    %broadcast_in_dim3A_88 = vector.shape_cast %reduce_sum3A_87 : vector<256xf32> to vector<1x256xf32>
    %sub3A_89 = arith.subf %add3A_84, %add3A_20 : vector<1024x256xf32>
    %add3A_90 = arith.addf %add3A_20, %sub3A_89 : vector<1024x256xf32>
    %sub3A_91 = arith.subf %add3A_20, %add3A_90 : vector<1024x256xf32>
    %add3A_92 = arith.addf %broadcast_in_dim3A_21, %add3A_90 : vector<1024x256xf32>
    %get3A_93 = arith.constant 1 : index
    %get3A_94 = arith.constant 0 : index
    %get3A_95 = arith.constant 0 : index
    %get3A_96 = vector.load %arg6[%get3A_93, %get3A_94, %get3A_95] : memref<4x1024x256xbf16, #tpu.memory_space<vmem>>, vector<1x1024x256xbf16>
    %get3A_97 = vector.shape_cast %get3A_96 : vector<1x1024x256xbf16> to vector<1024x256xbf16>
    %get3A_98 = arith.constant 1 : index
    %get3A_99 = arith.constant 0 : index
    %get3A_100 = arith.constant 0 : index
    %get3A_101 = vector.load %arg7[%get3A_98, %get3A_99, %get3A_100] : memref<4x1024x256xbf16, #tpu.memory_space<vmem>>, vector<1x1024x256xbf16>
    %get3A_102 = vector.shape_cast %get3A_101 : vector<1x1024x256xbf16> to vector<1024x256xbf16>
    %get3A_103 = arith.constant 1 : index
    %get3A_104 = arith.constant 0 : index
    %get3A_105 = arith.constant 0 : index
    %get3A_106 = vector.load %arg8[%get3A_103, %get3A_104, %get3A_105] : memref<4x1024x256xbf16, #tpu.memory_space<vmem>>, vector<1x1024x256xbf16>
    %get3A_107 = vector.shape_cast %get3A_106 : vector<1x1024x256xbf16> to vector<1024x256xbf16>
    %mul3A_108 = arith.mulf %sub3A_91, %sub3A_91 : vector<1024x256xf32>
    %reduce_sum3A_109 = arith.constant dense<0.000000e+00> : vector<1024xf32>
    %reduce_sum3A_110 = vector.multi_reduction <add>, %mul3A_108, %reduce_sum3A_109 [1] : vector<1024x256xf32> to vector<1024xf32>
    %broadcast_in_dim3A_111 = vector.shape_cast %reduce_sum3A_110 : vector<1024xf32> to vector<1024x1xf32>
    %convert_element_type3A_112 = arith.truncf %sub3A_91 : vector<1024x256xf32> to vector<1024x256xbf16>
    %dot_general3A_113 = arith.constant dense<0.000000e+00> : vector<1024x1024xf32>
    %dot_general3A_114 = tpu.matmul %convert_element_type3A_112, %get3A_97, %dot_general3A_113 {dimension_numbers = #tpu.dot_dimension_numbers<[1], [1], [0], [0], [0, 0, 1, 0], [], []>, transpose_lhs_hint = false} : vector<1024x256xbf16>, vector<1024x256xbf16>, vector<1024x1024xf32> -> vector<1024x1024xf32>
    %mul3A_115 = arith.constant 2.000000e+00 : f32
    %mul3A_116 = vector.broadcast %mul3A_115 : f32 to vector<1024x1024xf32>
    %mul3A_117 = arith.mulf %mul3A_116, %dot_general3A_114 : vector<1024x1024xf32>
    %sub3A_118 = vector.broadcast %broadcast_in_dim3A_111 : vector<1024x1xf32> to vector<1024x1024xf32>
    %sub3A_119 = arith.subf %sub3A_118, %mul3A_117 : vector<1024x1024xf32>
    %get3A_120 = arith.constant 1 : index
    %get3A_121 = arith.constant 0 : index
    %get3A_122 = arith.constant 0 : index
    %get3A_123 = vector.load %arg9[%get3A_120, %get3A_121, %get3A_122] : memref<4x1x1024xf32, #tpu.memory_space<vmem>>, vector<1x1x1024xf32>
    %get3A_124 = vector.shape_cast %get3A_123 : vector<1x1x1024xf32> to vector<1x1024xf32>
    %add3A_125 = vector.broadcast %get3A_124 : vector<1x1024xf32> to vector<1024x1024xf32>
    %add3A_126 = arith.addf %sub3A_119, %add3A_125 : vector<1024x1024xf32>
    %reduce_min3A_127 = arith.constant dense<0x7F800000> : vector<1024xf32>
    %reduce_min3A_128 = vector.multi_reduction <minimumf>, %add3A_126, %reduce_min3A_127 [1] : vector<1024x1024xf32> to vector<1024xf32>
    %broadcast_in_dim3A_129 = vector.shape_cast %reduce_min3A_128 : vector<1024xf32> to vector<1024x1xf32>
    %get3A_130 = arith.constant 0 : index
    %get3A_131 = arith.constant 0 : index
    %get3A_132 = vector.load %arg10[%get3A_130, %get3A_131] : memref<1x1024xf32, #tpu.memory_space<vmem>>, vector<1x1024xf32>
    %eq3A_133 = vector.broadcast %broadcast_in_dim3A_129 : vector<1024x1xf32> to vector<1024x1024xf32>
    %eq3A_134 = arith.cmpf oeq, %add3A_126, %eq3A_133 : vector<1024x1024xf32>
    %jit3A_135 = arith.constant 1.024000e+03 : f32
    %broadcast_in_dim3A_136 = vector.shape_cast %get3A_132 : vector<1x1024xf32> to vector<1x1024xf32>
    %broadcast_in_dim3A_137 = vector.broadcast %broadcast_in_dim3A_136 : vector<1x1024xf32> to vector<1024x1024xf32>
    %broadcast_in_dim3A_138 = vector.broadcast %jit3A_135 : f32 to vector<1024x1024xf32>
    %select_n3A_139 = arith.select %eq3A_134, %broadcast_in_dim3A_137, %broadcast_in_dim3A_138 : vector<1024x1024xi1>, vector<1024x1024xf32>
    %reduce_min3A_140 = arith.constant dense<0x7F800000> : vector<1024xf32>
    %reduce_min3A_141 = vector.multi_reduction <minimumf>, %select_n3A_139, %reduce_min3A_140 [1] : vector<1024x1024xf32> to vector<1024xf32>
    %convert_element_type3A_142 = arith.fptosi %reduce_min3A_141 : vector<1024xf32> to vector<1024xi32>
    %swap3A_143 = arith.constant 0 : index
    %swap3A_144 = arith.constant 0 : index
    %swap3A_145 = arith.constant 0 : index
    %swap3A_146 = vector.load %arg15[%swap3A_143, %swap3A_144, %swap3A_145] : memref<1x1x1024xi32, #tpu.memory_space<vmem>>, vector<1x1x1024xi32>
    %swap3A_147 = vector.shape_cast %swap3A_146 : vector<1x1x1024xi32> to vector<1024xi32>
    %swap3A_148 = vector.shape_cast %convert_element_type3A_142 : vector<1024xi32> to vector<1x1x1024xi32>
    tpu.vector_store %arg15[%swap3A_143, %swap3A_144, %swap3A_145], %swap3A_148 {strides = array<i32>} : memref<1x1x1024xi32, #tpu.memory_space<vmem>>, vector<1x1x1024xi32>,
    %broadcast_in_dim3A_149 = vector.shape_cast %reduce_min3A_141 : vector<1024xf32> to vector<1024x1xf32>
    %eq3A_150 = vector.broadcast %get3A_132 : vector<1x1024xf32> to vector<1024x1024xf32>
    %eq3A_151 = vector.broadcast %broadcast_in_dim3A_149 : vector<1024x1xf32> to vector<1024x1024xf32>
    %eq3A_152 = arith.cmpf oeq, %eq3A_150, %eq3A_151 : vector<1024x1024xf32>
    %convert_element_type3A_153 = arith.extui %eq3A_152 : vector<1024x1024xi1> to vector<1024x1024xi32>
    %convert_element_type3A_154 = arith.sitofp %convert_element_type3A_153 : vector<1024x1024xi32> to vector<1024x1024xf32>
    %convert_element_type3A_155 = arith.truncf %convert_element_type3A_154 : vector<1024x1024xf32> to vector<1024x1024xbf16>
    %dot_general3A_156 = arith.constant dense<0.000000e+00> : vector<1024x256xf32>
    %dot_general3A_157 = tpu.matmul %convert_element_type3A_155, %get3A_97, %dot_general3A_156 {dimension_numbers = #tpu.dot_dimension_numbers<[1], [0], [0], [1], [0, 0, 1, 1], [], []>, transpose_lhs_hint = false} : vector<1024x1024xbf16>, vector<1024x256xbf16>, vector<1024x256xf32> -> vector<1024x256xf32>
    %dot_general3A_158 = arith.constant dense<0.000000e+00> : vector<1024x256xf32>
    %dot_general3A_159 = tpu.matmul %convert_element_type3A_155, %get3A_102, %dot_general3A_158 {dimension_numbers = #tpu.dot_dimension_numbers<[1], [0], [0], [1], [0, 0, 1, 1], [], []>, transpose_lhs_hint = false} : vector<1024x1024xbf16>, vector<1024x256xbf16>, vector<1024x256xf32> -> vector<1024x256xf32>
    %add3A_160 = arith.addf %dot_general3A_157, %dot_general3A_159 : vector<1024x256xf32>
    %dot_general3A_161 = arith.constant dense<0.000000e+00> : vector<1024x256xf32>
    %dot_general3A_162 = tpu.matmul %convert_element_type3A_155, %get3A_107, %dot_general3A_161 {dimension_numbers = #tpu.dot_dimension_numbers<[1], [0], [0], [1], [0, 0, 1, 1], [], []>, transpose_lhs_hint = false} : vector<1024x1024xbf16>, vector<1024x256xbf16>, vector<1024x256xf32> -> vector<1024x256xf32>
    %add3A_163 = arith.addf %add3A_160, %dot_general3A_162 : vector<1024x256xf32>
    %sub3A_164 = arith.subf %sub3A_91, %add3A_163 : vector<1024x256xf32>
    %integer_pow3A_165 = arith.mulf %sub3A_164, %sub3A_164 : vector<1024x256xf32>
    %reduce_sum3A_166 = arith.constant dense<0.000000e+00> : vector<256xf32>
    %reduce_sum3A_167 = vector.multi_reduction <add>, %integer_pow3A_165, %reduce_sum3A_166 [0] : vector<1024x256xf32> to vector<256xf32>
    %broadcast_in_dim3A_168 = vector.shape_cast %reduce_sum3A_167 : vector<256xf32> to vector<1x256xf32>
    %sub3A_169 = arith.subf %add3A_163, %sub3A_91 : vector<1024x256xf32>
    %add3A_170 = arith.addf %sub3A_91, %sub3A_169 : vector<1024x256xf32>
    %sub3A_171 = arith.subf %sub3A_91, %add3A_170 : vector<1024x256xf32>
    %add3A_172 = arith.addf %add3A_92, %add3A_170 : vector<1024x256xf32>
    %get3A_173 = arith.constant 2 : index
    %get3A_174 = arith.constant 0 : index
    %get3A_175 = arith.constant 0 : index
    %get3A_176 = vector.load %arg6[%get3A_173, %get3A_174, %get3A_175] : memref<4x1024x256xbf16, #tpu.memory_space<vmem>>, vector<1x1024x256xbf16>
    %get3A_177 = vector.shape_cast %get3A_176 : vector<1x1024x256xbf16> to vector<1024x256xbf16>
    %get3A_178 = arith.constant 2 : index
    %get3A_179 = arith.constant 0 : index
    %get3A_180 = arith.constant 0 : index
    %get3A_181 = vector.load %arg7[%get3A_178, %get3A_179, %get3A_180] : memref<4x1024x256xbf16, #tpu.memory_space<vmem>>, vector<1x1024x256xbf16>
    %get3A_182 = vector.shape_cast %get3A_181 : vector<1x1024x256xbf16> to vector<1024x256xbf16>
    %get3A_183 = arith.constant 2 : index
    %get3A_184 = arith.constant 0 : index
    %get3A_185 = arith.constant 0 : index
    %get3A_186 = vector.load %arg8[%get3A_183, %get3A_184, %get3A_185] : memref<4x1024x256xbf16, #tpu.memory_space<vmem>>, vector<1x1024x256xbf16>
    %get3A_187 = vector.shape_cast %get3A_186 : vector<1x1024x256xbf16> to vector<1024x256xbf16>
    %mul3A_188 = arith.mulf %sub3A_171, %sub3A_171 : vector<1024x256xf32>
    %reduce_sum3A_189 = arith.constant dense<0.000000e+00> : vector<1024xf32>
    %reduce_sum3A_190 = vector.multi_reduction <add>, %mul3A_188, %reduce_sum3A_189 [1] : vector<1024x256xf32> to vector<1024xf32>
    %broadcast_in_dim3A_191 = vector.shape_cast %reduce_sum3A_190 : vector<1024xf32> to vector<1024x1xf32>
    %convert_element_type3A_192 = arith.truncf %sub3A_171 : vector<1024x256xf32> to vector<1024x256xbf16>
    %dot_general3A_193 = arith.constant dense<0.000000e+00> : vector<1024x1024xf32>
    %dot_general3A_194 = tpu.matmul %convert_element_type3A_192, %get3A_177, %dot_general3A_193 {dimension_numbers = #tpu.dot_dimension_numbers<[1], [1], [0], [0], [0, 0, 1, 0], [], []>, transpose_lhs_hint = false} : vector<1024x256xbf16>, vector<1024x256xbf16>, vector<1024x1024xf32> -> vector<1024x1024xf32>
    %mul3A_195 = arith.constant 2.000000e+00 : f32
    %mul3A_196 = vector.broadcast %mul3A_195 : f32 to vector<1024x1024xf32>
    %mul3A_197 = arith.mulf %mul3A_196, %dot_general3A_194 : vector<1024x1024xf32>
    %sub3A_198 = vector.broadcast %broadcast_in_dim3A_191 : vector<1024x1xf32> to vector<1024x1024xf32>
    %sub3A_199 = arith.subf %sub3A_198, %mul3A_197 : vector<1024x1024xf32>
    %get3A_200 = arith.constant 2 : index
    %get3A_201 = arith.constant 0 : index
    %get3A_202 = arith.constant 0 : index
    %get3A_203 = vector.load %arg9[%get3A_200, %get3A_201, %get3A_202] : memref<4x1x1024xf32, #tpu.memory_space<vmem>>, vector<1x1x1024xf32>
    %get3A_204 = vector.shape_cast %get3A_203 : vector<1x1x1024xf32> to vector<1x1024xf32>
    %add3A_205 = vector.broadcast %get3A_204 : vector<1x1024xf32> to vector<1024x1024xf32>
    %add3A_206 = arith.addf %sub3A_199, %add3A_205 : vector<1024x1024xf32>
    %reduce_min3A_207 = arith.constant dense<0x7F800000> : vector<1024xf32>
    %reduce_min3A_208 = vector.multi_reduction <minimumf>, %add3A_206, %reduce_min3A_207 [1] : vector<1024x1024xf32> to vector<1024xf32>
    %broadcast_in_dim3A_209 = vector.shape_cast %reduce_min3A_208 : vector<1024xf32> to vector<1024x1xf32>
    %get3A_210 = arith.constant 0 : index
    %get3A_211 = arith.constant 0 : index
    %get3A_212 = vector.load %arg10[%get3A_210, %get3A_211] : memref<1x1024xf32, #tpu.memory_space<vmem>>, vector<1x1024xf32>
    %eq3A_213 = vector.broadcast %broadcast_in_dim3A_209 : vector<1024x1xf32> to vector<1024x1024xf32>
    %eq3A_214 = arith.cmpf oeq, %add3A_206, %eq3A_213 : vector<1024x1024xf32>
    %jit3A_215 = arith.constant 1.024000e+03 : f32
    %broadcast_in_dim3A_216 = vector.shape_cast %get3A_212 : vector<1x1024xf32> to vector<1x1024xf32>
    %broadcast_in_dim3A_217 = vector.broadcast %broadcast_in_dim3A_216 : vector<1x1024xf32> to vector<1024x1024xf32>
    %broadcast_in_dim3A_218 = vector.broadcast %jit3A_215 : f32 to vector<1024x1024xf32>
    %select_n3A_219 = arith.select %eq3A_214, %broadcast_in_dim3A_217, %broadcast_in_dim3A_218 : vector<1024x1024xi1>, vector<1024x1024xf32>
    %reduce_min3A_220 = arith.constant dense<0x7F800000> : vector<1024xf32>
    %reduce_min3A_221 = vector.multi_reduction <minimumf>, %select_n3A_219, %reduce_min3A_220 [1] : vector<1024x1024xf32> to vector<1024xf32>
    %convert_element_type3A_222 = arith.fptosi %reduce_min3A_221 : vector<1024xf32> to vector<1024xi32>
    %swap3A_223 = arith.constant 0 : index
    %swap3A_224 = arith.constant 0 : index
    %swap3A_225 = arith.constant 0 : index
    %swap3A_226 = vector.load %arg16[%swap3A_223, %swap3A_224, %swap3A_225] : memref<1x1x1024xi32, #tpu.memory_space<vmem>>, vector<1x1x1024xi32>
    %swap3A_227 = vector.shape_cast %swap3A_226 : vector<1x1x1024xi32> to vector<1024xi32>
    %swap3A_228 = vector.shape_cast %convert_element_type3A_222 : vector<1024xi32> to vector<1x1x1024xi32>
    tpu.vector_store %arg16[%swap3A_223, %swap3A_224, %swap3A_225], %swap3A_228 {strides = array<i32>} : memref<1x1x1024xi32, #tpu.memory_space<vmem>>, vector<1x1x1024xi32>,
    %broadcast_in_dim3A_229 = vector.shape_cast %reduce_min3A_221 : vector<1024xf32> to vector<1024x1xf32>
    %eq3A_230 = vector.broadcast %get3A_212 : vector<1x1024xf32> to vector<1024x1024xf32>
    %eq3A_231 = vector.broadcast %broadcast_in_dim3A_229 : vector<1024x1xf32> to vector<1024x1024xf32>
    %eq3A_232 = arith.cmpf oeq, %eq3A_230, %eq3A_231 : vector<1024x1024xf32>
    %convert_element_type3A_233 = arith.extui %eq3A_232 : vector<1024x1024xi1> to vector<1024x1024xi32>
    %convert_element_type3A_234 = arith.sitofp %convert_element_type3A_233 : vector<1024x1024xi32> to vector<1024x1024xf32>
    %convert_element_type3A_235 = arith.truncf %convert_element_type3A_234 : vector<1024x1024xf32> to vector<1024x1024xbf16>
    %dot_general3A_236 = arith.constant dense<0.000000e+00> : vector<1024x256xf32>
    %dot_general3A_237 = tpu.matmul %convert_element_type3A_235, %get3A_177, %dot_general3A_236 {dimension_numbers = #tpu.dot_dimension_numbers<[1], [0], [0], [1], [0, 0, 1, 1], [], []>, transpose_lhs_hint = false} : vector<1024x1024xbf16>, vector<1024x256xbf16>, vector<1024x256xf32> -> vector<1024x256xf32>
    %dot_general3A_238 = arith.constant dense<0.000000e+00> : vector<1024x256xf32>
    %dot_general3A_239 = tpu.matmul %convert_element_type3A_235, %get3A_182, %dot_general3A_238 {dimension_numbers = #tpu.dot_dimension_numbers<[1], [0], [0], [1], [0, 0, 1, 1], [], []>, transpose_lhs_hint = false} : vector<1024x1024xbf16>, vector<1024x256xbf16>, vector<1024x256xf32> -> vector<1024x256xf32>
    %add3A_240 = arith.addf %dot_general3A_237, %dot_general3A_239 : vector<1024x256xf32>
    %dot_general3A_241 = arith.constant dense<0.000000e+00> : vector<1024x256xf32>
    %dot_general3A_242 = tpu.matmul %convert_element_type3A_235, %get3A_187, %dot_general3A_241 {dimension_numbers = #tpu.dot_dimension_numbers<[1], [0], [0], [1], [0, 0, 1, 1], [], []>, transpose_lhs_hint = false} : vector<1024x1024xbf16>, vector<1024x256xbf16>, vector<1024x256xf32> -> vector<1024x256xf32>
    %add3A_243 = arith.addf %add3A_240, %dot_general3A_242 : vector<1024x256xf32>
    %sub3A_244 = arith.subf %sub3A_171, %add3A_243 : vector<1024x256xf32>
    %integer_pow3A_245 = arith.mulf %sub3A_244, %sub3A_244 : vector<1024x256xf32>
    %reduce_sum3A_246 = arith.constant dense<0.000000e+00> : vector<256xf32>
    %reduce_sum3A_247 = vector.multi_reduction <add>, %integer_pow3A_245, %reduce_sum3A_246 [0] : vector<1024x256xf32> to vector<256xf32>
    %broadcast_in_dim3A_248 = vector.shape_cast %reduce_sum3A_247 : vector<256xf32> to vector<1x256xf32>
    %sub3A_249 = arith.subf %add3A_243, %sub3A_171 : vector<1024x256xf32>
    %add3A_250 = arith.addf %sub3A_171, %sub3A_249 : vector<1024x256xf32>
    %sub3A_251 = arith.subf %sub3A_171, %add3A_250 : vector<1024x256xf32>
    %add3A_252 = arith.addf %add3A_172, %add3A_250 : vector<1024x256xf32>
    %get3A_253 = arith.constant 3 : index
    %get3A_254 = arith.constant 0 : index
    %get3A_255 = arith.constant 0 : index
    %get3A_256 = vector.load %arg6[%get3A_253, %get3A_254, %get3A_255] : memref<4x1024x256xbf16, #tpu.memory_space<vmem>>, vector<1x1024x256xbf16>
    %get3A_257 = vector.shape_cast %get3A_256 : vector<1x1024x256xbf16> to vector<1024x256xbf16>
    %get3A_258 = arith.constant 3 : index
    %get3A_259 = arith.constant 0 : index
    %get3A_260 = arith.constant 0 : index
    %get3A_261 = vector.load %arg7[%get3A_258, %get3A_259, %get3A_260] : memref<4x1024x256xbf16, #tpu.memory_space<vmem>>, vector<1x1024x256xbf16>
    %get3A_262 = vector.shape_cast %get3A_261 : vector<1x1024x256xbf16> to vector<1024x256xbf16>
    %get3A_263 = arith.constant 3 : index
    %get3A_264 = arith.constant 0 : index
    %get3A_265 = arith.constant 0 : index
    %get3A_266 = vector.load %arg8[%get3A_263, %get3A_264, %get3A_265] : memref<4x1024x256xbf16, #tpu.memory_space<vmem>>, vector<1x1024x256xbf16>
    %get3A_267 = vector.shape_cast %get3A_266 : vector<1x1024x256xbf16> to vector<1024x256xbf16>
    %mul3A_268 = arith.mulf %sub3A_251, %sub3A_251 : vector<1024x256xf32>
    %reduce_sum3A_269 = arith.constant dense<0.000000e+00> : vector<1024xf32>
    %reduce_sum3A_270 = vector.multi_reduction <add>, %mul3A_268, %reduce_sum3A_269 [1] : vector<1024x256xf32> to vector<1024xf32>
    %broadcast_in_dim3A_271 = vector.shape_cast %reduce_sum3A_270 : vector<1024xf32> to vector<1024x1xf32>
    %convert_element_type3A_272 = arith.truncf %sub3A_251 : vector<1024x256xf32> to vector<1024x256xbf16>
    %dot_general3A_273 = arith.constant dense<0.000000e+00> : vector<1024x1024xf32>
    %dot_general3A_274 = tpu.matmul %convert_element_type3A_272, %get3A_257, %dot_general3A_273 {dimension_numbers = #tpu.dot_dimension_numbers<[1], [1], [0], [0], [0, 0, 1, 0], [], []>, transpose_lhs_hint = false} : vector<1024x256xbf16>, vector<1024x256xbf16>, vector<1024x1024xf32> -> vector<1024x1024xf32>
    %mul3A_275 = arith.constant 2.000000e+00 : f32
    %mul3A_276 = vector.broadcast %mul3A_275 : f32 to vector<1024x1024xf32>
    %mul3A_277 = arith.mulf %mul3A_276, %dot_general3A_274 : vector<1024x1024xf32>
    %sub3A_278 = vector.broadcast %broadcast_in_dim3A_271 : vector<1024x1xf32> to vector<1024x1024xf32>
    %sub3A_279 = arith.subf %sub3A_278, %mul3A_277 : vector<1024x1024xf32>
    %get3A_280 = arith.constant 3 : index
    %get3A_281 = arith.constant 0 : index
    %get3A_282 = arith.constant 0 : index
    %get3A_283 = vector.load %arg9[%get3A_280, %get3A_281, %get3A_282] : memref<4x1x1024xf32, #tpu.memory_space<vmem>>, vector<1x1x1024xf32>
    %get3A_284 = vector.shape_cast %get3A_283 : vector<1x1x1024xf32> to vector<1x1024xf32>
    %add3A_285 = vector.broadcast %get3A_284 : vector<1x1024xf32> to vector<1024x1024xf32>
    %add3A_286 = arith.addf %sub3A_279, %add3A_285 : vector<1024x1024xf32>
    %reduce_min3A_287 = arith.constant dense<0x7F800000> : vector<1024xf32>
    %reduce_min3A_288 = vector.multi_reduction <minimumf>, %add3A_286, %reduce_min3A_287 [1] : vector<1024x1024xf32> to vector<1024xf32>
    %broadcast_in_dim3A_289 = vector.shape_cast %reduce_min3A_288 : vector<1024xf32> to vector<1024x1xf32>
    %get3A_290 = arith.constant 0 : index
    %get3A_291 = arith.constant 0 : index
    %get3A_292 = vector.load %arg10[%get3A_290, %get3A_291] : memref<1x1024xf32, #tpu.memory_space<vmem>>, vector<1x1024xf32>
    %eq3A_293 = vector.broadcast %broadcast_in_dim3A_289 : vector<1024x1xf32> to vector<1024x1024xf32>
    %eq3A_294 = arith.cmpf oeq, %add3A_286, %eq3A_293 : vector<1024x1024xf32>
    %jit3A_295 = arith.constant 1.024000e+03 : f32
    %broadcast_in_dim3A_296 = vector.shape_cast %get3A_292 : vector<1x1024xf32> to vector<1x1024xf32>
    %broadcast_in_dim3A_297 = vector.broadcast %broadcast_in_dim3A_296 : vector<1x1024xf32> to vector<1024x1024xf32>
    %broadcast_in_dim3A_298 = vector.broadcast %jit3A_295 : f32 to vector<1024x1024xf32>
    %select_n3A_299 = arith.select %eq3A_294, %broadcast_in_dim3A_297, %broadcast_in_dim3A_298 : vector<1024x1024xi1>, vector<1024x1024xf32>
    %reduce_min3A_300 = arith.constant dense<0x7F800000> : vector<1024xf32>
    %reduce_min3A_301 = vector.multi_reduction <minimumf>, %select_n3A_299, %reduce_min3A_300 [1] : vector<1024x1024xf32> to vector<1024xf32>
    %convert_element_type3A_302 = arith.fptosi %reduce_min3A_301 : vector<1024xf32> to vector<1024xi32>
    %swap3A_303 = arith.constant 0 : index
    %swap3A_304 = arith.constant 0 : index
    %swap3A_305 = arith.constant 0 : index
    %swap3A_306 = vector.load %arg17[%swap3A_303, %swap3A_304, %swap3A_305] : memref<1x1x1024xi32, #tpu.memory_space<vmem>>, vector<1x1x1024xi32>
    %swap3A_307 = vector.shape_cast %swap3A_306 : vector<1x1x1024xi32> to vector<1024xi32>
    %swap3A_308 = vector.shape_cast %convert_element_type3A_302 : vector<1024xi32> to vector<1x1x1024xi32>
    tpu.vector_store %arg17[%swap3A_303, %swap3A_304, %swap3A_305], %swap3A_308 {strides = array<i32>} : memref<1x1x1024xi32, #tpu.memory_space<vmem>>, vector<1x1x1024xi32>,
    %broadcast_in_dim3A_309 = vector.shape_cast %reduce_min3A_301 : vector<1024xf32> to vector<1024x1xf32>
    %eq3A_310 = vector.broadcast %get3A_292 : vector<1x1024xf32> to vector<1024x1024xf32>
    %eq3A_311 = vector.broadcast %broadcast_in_dim3A_309 : vector<1024x1xf32> to vector<1024x1024xf32>
    %eq3A_312 = arith.cmpf oeq, %eq3A_310, %eq3A_311 : vector<1024x1024xf32>
    %convert_element_type3A_313 = arith.extui %eq3A_312 : vector<1024x1024xi1> to vector<1024x1024xi32>
    %convert_element_type3A_314 = arith.sitofp %convert_element_type3A_313 : vector<1024x1024xi32> to vector<1024x1024xf32>
    %convert_element_type3A_315 = arith.truncf %convert_element_type3A_314 : vector<1024x1024xf32> to vector<1024x1024xbf16>
    %dot_general3A_316 = arith.constant dense<0.000000e+00> : vector<1024x256xf32>
    %dot_general3A_317 = tpu.matmul %convert_element_type3A_315, %get3A_257, %dot_general3A_316 {dimension_numbers = #tpu.dot_dimension_numbers<[1], [0], [0], [1], [0, 0, 1, 1], [], []>, transpose_lhs_hint = false} : vector<1024x1024xbf16>, vector<1024x256xbf16>, vector<1024x256xf32> -> vector<1024x256xf32>
    %dot_general3A_318 = arith.constant dense<0.000000e+00> : vector<1024x256xf32>
    %dot_general3A_319 = tpu.matmul %convert_element_type3A_315, %get3A_262, %dot_general3A_318 {dimension_numbers = #tpu.dot_dimension_numbers<[1], [0], [0], [1], [0, 0, 1, 1], [], []>, transpose_lhs_hint = false} : vector<1024x1024xbf16>, vector<1024x256xbf16>, vector<1024x256xf32> -> vector<1024x256xf32>
    %add3A_320 = arith.addf %dot_general3A_317, %dot_general3A_319 : vector<1024x256xf32>
    %dot_general3A_321 = arith.constant dense<0.000000e+00> : vector<1024x256xf32>
    %dot_general3A_322 = tpu.matmul %convert_element_type3A_315, %get3A_267, %dot_general3A_321 {dimension_numbers = #tpu.dot_dimension_numbers<[1], [0], [0], [1], [0, 0, 1, 1], [], []>, transpose_lhs_hint = false} : vector<1024x1024xbf16>, vector<1024x256xbf16>, vector<1024x256xf32> -> vector<1024x256xf32>
    %add3A_323 = arith.addf %add3A_320, %dot_general3A_322 : vector<1024x256xf32>
    %sub3A_324 = arith.subf %sub3A_251, %add3A_323 : vector<1024x256xf32>
    %integer_pow3A_325 = arith.mulf %sub3A_324, %sub3A_324 : vector<1024x256xf32>
    %reduce_sum3A_326 = arith.constant dense<0.000000e+00> : vector<256xf32>
    %reduce_sum3A_327 = vector.multi_reduction <add>, %integer_pow3A_325, %reduce_sum3A_326 [0] : vector<1024x256xf32> to vector<256xf32>
    %broadcast_in_dim3A_328 = vector.shape_cast %reduce_sum3A_327 : vector<256xf32> to vector<1x256xf32>
    %sub3A_329 = arith.subf %add3A_323, %sub3A_251 : vector<1024x256xf32>
    %add3A_330 = arith.addf %sub3A_251, %sub3A_329 : vector<1024x256xf32>
    %add3A_331 = arith.addf %add3A_252, %add3A_330 : vector<1024x256xf32>
    %get3A_332 = arith.constant 0 : index
    %get3A_333 = arith.constant 0 : index
    %get3A_334 = vector.load %arg11[%get3A_332, %get3A_333] : memref<256x256xf32, #tpu.memory_space<vmem>>, vector<256x256xf32>
    %convert_element_type3A_335 = arith.truncf %add3A_331 : vector<1024x256xf32> to vector<1024x256xbf16>
    %convert_element_type3A_336 = arith.truncf %get3A_334 : vector<256x256xf32> to vector<256x256xbf16>
    %dot_general3A_337 = arith.constant dense<0.000000e+00> : vector<1024x256xf32>
    %dot_general3A_338 = tpu.matmul %convert_element_type3A_335, %convert_element_type3A_336, %dot_general3A_337 {dimension_numbers = #tpu.dot_dimension_numbers<[1], [1], [0], [0], [0, 0, 1, 0], [], []>, transpose_lhs_hint = false} : vector<1024x256xbf16>, vector<256x256xbf16>, vector<1024x256xf32> -> vector<1024x256xf32>
    %get3A_339 = arith.constant 0 : index
    %get3A_340 = arith.constant 0 : index
    %get3A_341 = vector.load %arg12[%get3A_339, %get3A_340] : memref<1x256xf32, #tpu.memory_space<vmem>>, vector<1x256xf32>
    %add3A_342 = vector.broadcast %get3A_341 : vector<1x256xf32> to vector<1024x256xf32>
    %add3A_343 = arith.addf %dot_general3A_338, %add3A_342 : vector<1024x256xf32>
    %swap3A_344 = arith.constant 0 : index
    %swap3A_345 = arith.constant 0 : index
    %swap3A_346 = vector.load %arg13[%swap3A_344, %swap3A_345] : memref<1024x256xf32, #tpu.memory_space<vmem>>, vector<1024x256xf32>
    tpu.vector_store %arg13[%swap3A_344, %swap3A_345], %add3A_343 {strides = array<i32>} : memref<1024x256xf32, #tpu.memory_space<vmem>>, vector<1024x256xf32>,
    %concatenate3A = tpu.concatenate %broadcast_in_dim3A_88, %broadcast_in_dim3A_168, %broadcast_in_dim3A_248, %broadcast_in_dim3A_328 in 0 : vector<1x256xf32>, vector<1x256xf32>, vector<1x256xf32>, vector<1x256xf32> -> vector<4x256xf32>
    %broadcast_in_dim3A_347 = vector.shape_cast %concatenate3A : vector<4x256xf32> to vector<1x4x256xf32>
    %swap3A_348 = arith.constant 0 : index
    %swap3A_349 = arith.constant 0 : index
    %swap3A_350 = arith.constant 0 : index
    %swap3A_351 = vector.load %arg18[%swap3A_348, %swap3A_349, %swap3A_350] : memref<1x4x256xf32, #tpu.memory_space<vmem>>, vector<1x4x256xf32>
    tpu.vector_store %arg18[%swap3A_348, %swap3A_349, %swap3A_350], %broadcast_in_dim3A_347 {strides = array<i32>} : memref<1x4x256xf32, #tpu.memory_space<vmem>>, vector<1x4x256xf32>,
    return
  }
  func.func @transform_0(%arg0: i32) -> (i32, i32) {
    %c0_i32 = arith.constant 0 : i32
    %c0_i32_0 = arith.constant 0 : i32
    return %arg0, %c0_i32 : i32, i32
  }
  func.func @transform_1(%arg0: i32) -> (i32, i32) {
    %c0_i32 = arith.constant 0 : i32
    %c0_i32_0 = arith.constant 0 : i32
    return %arg0, %c0_i32 : i32, i32
  }
  func.func @transform_2(%arg0: i32) -> (i32, i32) {
    %c0_i32 = arith.constant 0 : i32
    %c0_i32_0 = arith.constant 0 : i32
    return %arg0, %c0_i32 : i32, i32
  }
  func.func @transform_3(%arg0: i32) -> (i32, i32) {
    %c0_i32 = arith.constant 0 : i32
    %c0_i32_0 = arith.constant 0 : i32
    %c0_i32_1 = arith.constant 0 : i32
    return %c0_i32, %c0_i32_0 : i32, i32
  }
  func.func @transform_4(%arg0: i32) -> (i32, i32) {
    %c0_i32 = arith.constant 0 : i32
    %c0_i32_0 = arith.constant 0 : i32
    %c0_i32_1 = arith.constant 0 : i32
    return %c0_i32, %c0_i32_0 : i32, i32
  }
  func.func @transform_5(%arg0: i32) -> (i32, i32, i32) {
    %c0_i32 = arith.constant 0 : i32
    %c0_i32_0 = arith.constant 0 : i32
    %c0_i32_1 = arith.constant 0 : i32
    %c0_i32_2 = arith.constant 0 : i32
    return %c0_i32, %c0_i32_0, %c0_i32_1 : i32, i32, i32
  }
  func.func @transform_6(%arg0: i32) -> (i32, i32, i32) {
    %c0_i32 = arith.constant 0 : i32
    %c0_i32_0 = arith.constant 0 : i32
    %c0_i32_1 = arith.constant 0 : i32
    %c0_i32_2 = arith.constant 0 : i32
    return %c0_i32, %c0_i32_0, %c0_i32_1 : i32, i32, i32
  }
  func.func @transform_7(%arg0: i32) -> (i32, i32, i32) {
    %c0_i32 = arith.constant 0 : i32
    %c0_i32_0 = arith.constant 0 : i32
    %c0_i32_1 = arith.constant 0 : i32
    %c0_i32_2 = arith.constant 0 : i32
    return %c0_i32, %c0_i32_0, %c0_i32_1 : i32, i32, i32
  }
  func.func @transform_8(%arg0: i32) -> (i32, i32, i32) {
    %c0_i32 = arith.constant 0 : i32
    %c0_i32_0 = arith.constant 0 : i32
    %c0_i32_1 = arith.constant 0 : i32
    %c0_i32_2 = arith.constant 0 : i32
    return %c0_i32, %c0_i32_0, %c0_i32_1 : i32, i32, i32
  }
  func.func @transform_9(%arg0: i32) -> (i32, i32) {
    %c0_i32 = arith.constant 0 : i32
    %c0_i32_0 = arith.constant 0 : i32
    %c0_i32_1 = arith.constant 0 : i32
    return %c0_i32, %c0_i32_0 : i32, i32
  }
  func.func @transform_10(%arg0: i32) -> (i32, i32) {
    %c0_i32 = arith.constant 0 : i32
    %c0_i32_0 = arith.constant 0 : i32
    %c0_i32_1 = arith.constant 0 : i32
    return %c0_i32, %c0_i32_0 : i32, i32
  }
  func.func @transform_11(%arg0: i32) -> (i32, i32) {
    %c0_i32 = arith.constant 0 : i32
    %c0_i32_0 = arith.constant 0 : i32
    %c0_i32_1 = arith.constant 0 : i32
    return %c0_i32, %c0_i32_0 : i32, i32
  }
  func.func @transform_12(%arg0: i32) -> (i32, i32) {
    %c0_i32 = arith.constant 0 : i32
    %c0_i32_0 = arith.constant 0 : i32
    return %arg0, %c0_i32 : i32, i32
  }
  func.func @transform_13(%arg0: i32) -> (i32, i32, i32) {
    %c0_i32 = arith.constant 0 : i32
    %c0_i32_0 = arith.constant 0 : i32
    %c0_i32_1 = arith.constant 0 : i32
    return %arg0, %c0_i32, %c0_i32_0 : i32, i32, i32
  }
  func.func @transform_14(%arg0: i32) -> (i32, i32, i32) {
    %c0_i32 = arith.constant 0 : i32
    %c0_i32_0 = arith.constant 0 : i32
    %c0_i32_1 = arith.constant 0 : i32
    return %arg0, %c0_i32, %c0_i32_0 : i32, i32, i32
  }
  func.func @transform_15(%arg0: i32) -> (i32, i32, i32) {
    %c0_i32 = arith.constant 0 : i32
    %c0_i32_0 = arith.constant 0 : i32
    %c0_i32_1 = arith.constant 0 : i32
    return %arg0, %c0_i32, %c0_i32_0 : i32, i32, i32
  }
  func.func @transform_16(%arg0: i32) -> (i32, i32, i32) {
    %c0_i32 = arith.constant 0 : i32
    %c0_i32_0 = arith.constant 0 : i32
    %c0_i32_1 = arith.constant 0 : i32
    return %arg0, %c0_i32, %c0_i32_0 : i32, i32, i32
  }
  func.func @transform_17(%arg0: i32) -> (i32, i32, i32) {
    %c0_i32 = arith.constant 0 : i32
    %c0_i32_0 = arith.constant 0 : i32
    %c0_i32_1 = arith.constant 0 : i32
    return %arg0, %c0_i32, %c0_i32_0 : i32, i32, i32
  }
}

</mosaic_0001>

<sc_bundles>
// kernel: kernel.10.cloned.1.call-start
scs
__scs_entry_jumppad:
0x0: {  	(pc) =	sbr.rel $0x88, $3  }
0x1: {  	(tag) =	ssettag $0x0;
	lr =	simm.s32 $0x1  }
0x2: {  	[smem:$0x3F93] =	sst lr;
	_ =	strace $0xD0000000  }
0x3: {  	_ = 	snop  }
0x4: {  	_ = 	snop  }
0x5: {  	_ = 	snop  }
0x6: {  	_ = 	snop  }
0x7: {  	_ = 	snop  }
__scs_overlays_trampoline_lowered:
0x8: {  	[smem:$0x3FA2] =	sst s0  }
0x9: {  	[smem:$0x3FA3] =	sst s1  }
0xa: {  	[smem:$0x3FA4] =	sst s2  }
0xb: {  	[smem:$0x3FA5] =	sst s3  }
0xc: {  	[smem:$0x3FA6] =	sst s4  }
0xd: {  	[smem:$0x3FA7] =	sst s5  }
0xe: {  	[smem:$0x3FA8] =	sst s6  }
0xf: {  	[smem:$0x3FA9] =	sst s7  }
0x10: {  	[smem:$0x3FAA] =	sst s8  }
0x11: {  	[smem:$0x3FAB] =	sst s9;
	s0 =	simm.s32 @!p0 $0x0  }
0x12: {  	s1 =	sld [smem:$0x3F91];
	s0 =	simm.s32 @p0 $0x1  }
0x13: {  	[smem:$0x3FAC] =	sst s0;
	s0 =	simm.s32 @!p1 $0x0  }
0x14: {  	s2 =	sld [smem:$0x3F90];
	s0 =	simm.s32 @p1 $0x1  }
0x15: {  	[smem:$0x3FAD] =	sst s0;
	s0 =	simm.s32 @!p2 $0x0  }
0x16: {  	s3 =	sld [smem:$0x3FDB];
	s0 =	simm.s32 @p2 $0x1  }
0x17: {  	s4 =	simm.s32 $0x1BF5;
	[smem:$0x3FAF] =	sst s0  }
0x18: {  	s0 =	sld [smem:$0x3F92];
	_ =	swait.ge [sflag:s4], $0x0  }
0x19: {  	s7 =	sld [smem:$0x3F93]  }
0x1a: {  	s8 =	sadd.s32 $0xFFFFE003, lr  }
0x1b: {  	s9 =	sadd.s32 $0xFFFFFEF7, lr;
	s5 =	simm.s32 $0xFFFFFFFF;
	p2 =	slt.u32 s8, $0xFFFFF086  }
0x1c: {  	p1 =	slt.u32 s9, $0xF7A;
	s5 =	simm.s32 @!p2 $0x0  }
0x1d: {  	s5 =	simm.s32 @p1 $0x1;
	p0 =	seq.s32 s7, s2  }
0x1e: {  	s7 =	smul.u32 @!p0 $0xF7A, s2;
	p2 =	seq.s32 @!p0 s5, $0x0  }
0x1f: {  	s9 =	smul.u32 $0xF7A, s1;
	s8 =	simm.s32 @!p0 $0x1BF5;
	p2 =	por !p2, p0  }
0x20: {  	[sflag:s8] =	ssyncset.s32 @!p0 $0xFFFFF086;
	s6 =	sadd.s32 @!p0 s3, s7;
	s7 =	simm.s32 @!p0 $0x108  }
0x21: {  	s3 =	sadd.s32 s3, s9;
	s6 =	sadd.s32 @!p0 $0x88, s6;
	s7 =	simm.s32 @p2 $0x1082  }
0x22: {  	[simem:s7], [sflag:s8] =	dma.local @!p0 [hbm:s6], $0xF7A  }
0x23: {  	s9 =	sor.u32 $0xD0000000, s2;
	s6 =	simm.s32 $0x108;
	_ =	swait.ge @!p0 [sflag:s8], $0x0  }
0x24: {  	s3 =	sadd.s32 $0x88, s3;
	s6 =	simm.s32 @!p1 $0x1082;
	[sflag:s4] =	ssyncset.s32 $0xFFFFF086  }
0x25: {  	[simem:s6], [sflag:s4] =	dma.local [hbm:s3], $0xF7A  }
0x26: {  	[smem:$0x3F93] =	sst s1;
	(tag) =	ssettag s2;
	_ =	strace s9  }
0x27: {  	s1 =	sld [smem:$0x3FA3]  }
0x28: {  	s2 =	sld [smem:$0x3FA4]  }
0x29: {  	s4 =	sld [smem:$0x3FA6]  }
0x2a: {  	p0 =	seq.s32 s5, $0x0;
	s5 =	sld [smem:$0x3FA7]  }
0x2b: {  	s6 =	sld [smem:$0x3FA8]  }
0x2c: {  	s7 =	sld [smem:$0x3FA9]  }
0x2d: {  	s3 =	simm.s32 $0x108;
	s8 =	sld [smem:$0x3FAA]  }
0x2e: {  	s3 =	simm.s32 @!p0 $0x1082;
	s9 =	sld [smem:$0x3FAB]  }
0x2f: {  	lr =	sadd.s32 s0, s3;
	s0 =	sld [smem:$0x3FA2]  }
0x30: {  	s3 =	sld [smem:$0x3FA5]  }
0x31: {  	[smem:$0x3FAE] =	sst s10  }
0x32: {  	s10 =	sld [smem:$0x3FAC];
	_ =	sdelay $0x3  }
0x33: {  	p0 =	seq.s32 s10, $0x1;
	s10 =	sld [smem:$0x3FAE];
	_ =	sdelay $0x3  }
0x34: {  	[smem:$0x3FAE] =	sst s10  }
0x35: {  	s10 =	sld [smem:$0x3FAD];
	_ =	sdelay $0x3  }
0x36: {  	p1 =	seq.s32 s10, $0x1;
	s10 =	sld [smem:$0x3FAE];
	_ =	sdelay $0x3  }
0x37: {  	[smem:$0x3FAE] =	sst s10  }
0x38: {  	s10 =	sld [smem:$0x3FAF]  }
0x39: {  	_ = 	snop;
	(pc) =	sbr.ind lr, $3  }
0x3a: {  	_ = 	snop  }
0x3b: {  	_ = 	snop  }
0x3c: {  	p2 =	seq.s32 s10, $0x1;
	s10 =	sld [smem:$0x3FAE]  }
0x3d: {  	_ =	shalt  }
0x3e: {  	_ =	shalt  }
0x3f: {  	_ =	shalt  }
0x40: {  	_ =	shalt  }
0x41: {  	_ =	shalt  }
0x42: {  	_ =	shalt  }
0x43: {  	_ =	shalt  }
0x44: {  	_ =	shalt  }
0x45: {  	_ =	shalt  }
0x46: {  	_ =	shalt  }
0x47: {  	_ =	shalt  }
0x48: {  	_ =	shalt  }
0x49: {  	_ =	shalt  }
0x4a: {  	_ =	shalt  }
0x4b: {  	_ =	shalt  }
0x4c: {  	_ =	shalt  }
0x4d: {  	_ =	shalt  }
0x4e: {  	_ =	shalt  }
0x4f: {  	_ =	shalt  }
0x50: {  	_ =	shalt  }
0x51: {  	_ =	shalt  }
0x52: {  	_ =	shalt  }
0x53: {  	_ =	shalt  }
0x54: {  	_ =	shalt  }
0x55: {  	_ =	shalt  }
0x56: {  	_ =	shalt  }
0x57: {  	_ =	shalt  }
0x58: {  	_ =	shalt  }
0x59: {  	_ =	shalt  }
0x5a: {  	_ =	shalt  }
0x5b: {  	_ =	shalt  }
0x5c: {  	_ =	shalt  }
0x5d: {  	_ =	shalt  }
0x5e: {  	_ =	shalt  }
0x5f: {  	_ =	shalt  }
0x60: {  	_ =	shalt  }
0x61: {  	_ =	shalt  }
0x62: {  	_ =	shalt  }
0x63: {  	_ =	shalt  }
0x64: {  	_ =	shalt  }
0x65: {  	_ =	shalt  }
0x66: {  	_ =	shalt  }
0x67: {  	_ =	shalt  }
0x68: {  	_ =	shalt  }
0x69: {  	_ =	shalt  }
0x6a: {  	_ =	shalt  }
0x6b: {  	_ =	shalt  }
0x6c: {  	_ =	shalt  }
0x6d: {  	_ =	shalt  }
0x6e: {  	_ =	shalt  }
0x6f: {  	_ =	shalt  }
0x70: {  	_ =	shalt  }
0x71: {  	_ =	shalt  }
0x72: {  	_ =	shalt  }
0x73: {  	_ =	shalt  }
0x74: {  	_ =	shalt  }
0x75: {  	_ =	shalt  }
0x76: {  	_ =	shalt  }
0x77: {  	_ =	shalt  }
0x78: {  	_ =	shalt  }
0x79: {  	_ =	shalt  }
0x7a: {  	_ =	shalt  }
0x7b: {  	_ =	shalt  }
0x7c: {  	_ =	shalt  }
0x7d: {  	_ =	shalt  }
0x7e: {  	_ =	shalt  }
0x7f: {  	_ =	shalt  }
0x80: {  	_ =	shalt  }
0x81: {  	_ =	shalt  }
0x82: {  	_ =	shalt  }
0x83: {  	_ =	shalt  }
0x84: {  	_ =	shalt  }
0x85: {  	_ =	shalt  }
0x86: {  	_ =	shalt  }
0x87: {  	_ =	shalt  }
.Lfunc_end0:
.L_simem_size_0:
called_computation_lowered:
.L_overlay_start_0:
0x88: {  	s2 =	sld [smem:$0x3FD9]  }
0x89: {  	s3 =	sld [smem:$0x3FFE];
	_ =	sdelay $0x1  }
0x8a: {  	s1 =	srdreg.scid  }
0x8b: {  	s0 =	sand.u32 $0x1, s1  }
0x8c: {  	s14 =	sshll.u32 s0, $0xA;
	s2 =	sadd.s32 s3, s2  }
0x8d: {  	s2 =	sadd.s32 s2, s14  }
0x8e: {  	[smem:$0x3FBA] =	sst s2  }
0x8f: {  	_ = 	snop  }
0x90: {  	s2 =	sld [smem:$0x3FD0];
	_ =	sdelay $0x2  }
0x91: {  	s4 =	simm.s32 $0xB;
	s5 =	simm.s32 $0x10;
	s15 =	sld [smem:$0x3FC8]  }
0x92: {  	[smem:s5], [sflag:s4] =	dma.local [hbm:s2], $0x1  }
0x93: {  	_ =	swait.eq [sflag:s4], $0x1  }
0x94: {  	[sflag:s4] =	ssyncset.done $0x0  }
0x95: {  	[sflag:s4] =	ssyncadd.s32 $0xFFFFFFFF  }
0x96: {  	s16 =	sld [smem:$0x11];
	(tm) =	ssettm $0x1  }
0x97: {  	s17 =	sld [smem:$0x3FFB];
	_ =	sdelay $0x3  }
0x98: {  	_ =	strace s17  }
0x99: {  	s4 =	sld [smem:$0x3FFC];
	_ =	sdelay $0x3  }
0x9a: {  	_ =	strace s4  }
0x9b: {  	s4 =	sld [smem:$0x3FFD];
	_ =	sdelay $0x3  }
0x9c: {  	_ =	strace s4  }
0x9d: {  	_ =	strace $0x8FFFFFFF  }
0x9e: {  	s18 =	sld [smem:$0x3FDB];
	_ =	sdelay $0x1  }
0x9f: {  	s19 =	simm.s32 $_scs_section_size  }
0xa0: {  	s6 =	simm.s32 $_size__tile_overlayer_lowered;
	s7 =	simm.s32 $_tile_overlayer_lowered  }
0xa1: {  	s22 =	simm.s32 $0x1BFF;
	s21 =	sshll.u32 s7, $0x1;
	s4 =	sadd.s32 s19, s18  }
0xa2: {  	s8 =	simm.s32 $0x0;
	s20 =	sshll.u32 s6, $0x1;
	s6 =	sadd.s32 s21, s4  }
0xa3: {  	[timem:s8], [sflag:s22] =	dma.local [hbm:s6], s20  }
0xa4: {  	_ =	swait.ge [sflag:s22], s20  }
0xa5: {  	s5 =	ssub.s32 $0x0, s20;
	[sflag:s22] =	ssyncset.done $0x0  }
0xa6: {  	[sflag:s22] =	ssyncadd.s32 s5;
	_ =	sdelay $0x1  }
0xa7: {  	s23 =	simm.s32 $0x1B8B  }
0xa8: {  	_ =	swait.ge [sflag:s23], $0x1  }
0xa9: {  	[sflag:s23] =	ssyncset.done $0x0  }
0xaa: {  	s25 =	simm.s32 $0x1B8E;
	s24 =	sld [smem:$0x3FFE];
	[sflag:s23] =	ssyncadd.s32 $0xFFFFFFFF  }
0xab: {  	s26 =	simm.s32 $execute0_lowered;
	[smem:$0x3FD2] =	sst s25  }
0xac: {  	s6 =	sshll.u32 s26, $0x1;
	_ =	strace $0x80000046;
	[dreg:$0x1] =	wrdreg $0xFFFFFFFF  }
0xad: {  	s28 =	simm.s32 $_size_execute0_lowered;
	s4 =	sadd.s32 s4, s6;
	[dreg:$0x0] =	wrdreg $0x0  }
0xae: {  	s6 =	sshll.u32 s28, $0x1;
	[dreg:$0x2] =	wrdreg s4  }
0xaf: {  	[dreg:$0x3] =	wrdreg s6  }
0xb0: {  	[dreg:$0x4] =	wrdreg $0xC0  }
0xb1: {  	_ =	task [dreg:s8], $0x5FFFF  }
0xb2: {  	[dreg:$0x1] =	wrdreg $0xFFFFFFFF  }
0xb3: {  	[dreg:$0x0] =	wrdreg $0x60  }
0xb4: {  	[dreg:$0x2] =	wrdreg s15  }
0xb5: {  	[dreg:$0x3] =	wrdreg s16  }
0xb6: {  	[dreg:$0x4] =	wrdreg s24  }
0xb7: {  	[dreg:$0x5] =	wrdreg $0x9  }
0xb8: {  	_ =	task.clear_ibuf [dreg:s8], $0x6FFFF;
	_ =	strace $0x90000046  }
0xb9: {  	s29 =	simm.s32 $0x9;
	_ =	strace $0x8000004F  }
0xba: {  	_ =	swait.ge [sflag:s29], $0x1  }
0xbb: {  	[sflag:s29] =	ssyncadd.s32 $0xFFFFFFFF  }
0xbc: {  	_ =	strace $0x9000004F  }
0xbd: {  	_ =	sfence  }
0xbe: {  	s30 =	sld [smem:$0x0];
	_ =	sdelay $0x2  }
0xbf: {  	s31 =	sshll.u32 s1, $0xD;
	s1 =	sshrl.u32 s1, $0x2  }
0xc0: {  	s3 =	sand.u32 $0x4000, s31;
	s1 =	sadd.s32 s1, s30  }
0xc1: {  	s0 =	sor.u32 s3, s0;
	s1 =	sshll.u32 s1, $0x11  }
0xc2: {  	s0 =	sor.u32 s1, s0  }
0xc3: {  	s0 =	sadd.s32 $0x8F2B, s0  }
0xc4: {  	[sflag:s0] =	ssyncadd.remote.s32 $0x1  }
0xc5: {  	_ =	sfence.sel $0xFFFF  }
0xc6: {  	[dreg:$0x0] =	wrdreg $0xFFFFFFFF;
	(pc) =	sbr.abs _section_cstart, $3  }
0xc7: {  	[dreg:$0x1] =	wrdreg $0xFFFFFFFF  }
0xc8: {  	_ =	task.clear_ibuf [dreg:s8], $0x2FFFF;
	_ =	strace $0x9FFFFFFF  }
0xc9: {  	(tm) =	ssettm $0x7FFFFFFF  }
tec
execute0_lowered:
.L_overlay_start_1:
0x0: {  	(tag) =	ssettag $0x1  }
0x1: {  	s1 =	rddreg [dreg:$0x0]  }
0x2: {  	s2 =	rddreg [dreg:$0x1]  }
0x3: {  	s5 =	rddreg [dreg:$0x2]  }
0x4: {  	s0 =	rddreg [dreg:$0x3];
	s4 =	simm.s32 $0x0;
	s3 =	srdreg.scid  }
0x5: {  	s9 =	simm.s32 $0x5;
	s10 =	simm.s32 $0x4;
	s11 =	simm.s32 $0x0  }
.Ltmp0:
0x6: {  	[smem:$0x7FF] =	sst s4;
	s6 =	sand.u32 $0x1, s3;
	(pc) =	sbr.rel .LBB2_1-.Ltmp0, $4  }
0x7: {  	s3 =	stileid.u32;
	s7 =	ssub.s32 $0x2, s6;
	s6 =	sshll.u32 s6, $0x4  }
0x8: {  	v2 =	vlaneseq.u32;
	s5 =	sadd.s32 $0x1800, s5;
	s8 =	sshrl.u32 s7, $0x1;
	s6 =	sor.u32 s3, s6  }
0x9: {  	vm0 =	vmmov $0xffff;
	v1 =	vshrl.u32 v2, $0x3;
	_ =	strace $0x80000047;
	s8 =	ssub.s32 s7, s8;
	s31 =	sshll.u32 s6, $0x5  }
0xa: {  	v0 =	vand.u32 $0x7, v2;
	v2 =	vor.u32 $0x8, v2;
	v1 =	vmul.u32 $0x8, v1;
	s6 =	sshll.u32 s6, $0x1;
	s7 =	sadd.s32 s2, s31;
	s8 =	smax.u32 s8, $0x1  }
.LBB2_4:
0xb: {  	s12 =	sand.u32 $0x1, s12  }
0xc: {  	_ =	strace $0x8000004D;
	s12 =	sadd.s32 $0x3, s12  }
0xd: {  	_ =	swait.ge [sflag:s12], $0x8000  }
0xe: {  	[sflag:s12] =	ssyncset.done $0x0  }
0xf: {  	s11 =	sadd.s32 $0x1, s11;
	[sflag:s12] =	ssyncadd.s32 $0xFFFF8000  }
0x10: {  	p0 =	sne.s32 s11, s8;
	_ =	strace $0x9000004D  }
.Ltmp1:
0x11: {  	_ =	strace $0x8000004E;
	(pc) =	sbr.rel @!p0 .LBB2_5-.Ltmp1, $4  }
0x12: {  	_ =	swait.ge [sflag:s10], $0x8000  }
0x13: {  	[sflag:s10] =	ssyncset.done $0x0  }
0x14: {  	[sflag:s10] =	ssyncadd.s32 $0xFFFF8000  }
0x15: {  	_ =	strace $0x9000004E  }
.LBB2_1:
0x16: {  	_ =	strace $0x80000048  }
0x17: {  	p0 =	por $0x1, $0x1;
	p2 =	por $0x0, $0x0;
	s13 =	simm.s32 $0x0  }
0x18: {  	s12 =	simm.s32 $0x0;
	s17 =	simm.s32 $0x0;
	s14 =	simm.s32 $0x0  }
0x19: {  	[tilespmem:s4], [sflag:$0x1] =	stream.linear.gather [hbm4b:s7+s4], $0x80, $0x200038;
	[tilespmem:$0x10100] =	vst v63  }
0x1a: {  	s15 =	simm.s32 $0x1;
	s16 =	simm.s32 $0x0;
	_ =	strace $0x90000048  }
.LBB2_2:
0x1b: {  	s18 =	smov.u32 s13;
	s13 =	sadd.s32 $0x1, s13  }
0x1c: {  	p1 =	seq.s32 s13, $0x2  }
0x1d: {  	s13 =	simm.s32 @p1 $0x0  }
0x1e: {  	p1 =	sne.s32 s18, s13  }
0x1f: {  	p1 =	por !p0, !p1  }
0x20: {  	p1 =	por !p1, !p1  }
0x21: {  	s19 =	sadd.s32 @p1 s6, s13  }
0x22: {  	s20 =	sand.u32 @p1 $0x1, s15;
	s19 =	sshll.u32 @p1 s19, $0x4  }
0x23: {  	_ =	strace @p1 $0x80000049;
	s22 =	simm.s32 @p1 $0x0;
	s19 =	sand.u32 @p1 $0x1FFFFFF0, s19  }
0x24: {  	s21 =	sshll.u32 @p1 s20, $0x7;
	s20 =	sadd.s32 @p1 $0x1, s20;
	s19 =	sadd.s32 @p1 s2, s19  }
0x25: {  	[tilespmem:s21], [sflag:s20] =	stream.linear.gather @p1 [hbm4b:s19+s22], $0x80, $0x200038;
	[tilespmem:$0x10100] =	vst v63  }
0x26: {  	s23 =	sand.u32 $0x1, s14;
	_ =	strace @p1 $0x90000049  }
0x27: {  	s19 =	sadd.s32 $0x1, s23;
	_ =	strace $0x8000004A  }
0x28: {  	_ =	swait.ge [sflag:s19], $0x80  }
0x29: {  	[sflag:s19] =	ssyncset.done $0x0  }
0x2a: {  	[sflag:s19] =	ssyncadd.s32 $0xFFFFFF80  }
0x2b: {  	s24 =	sshll.u32 s14, $0x7;
	_ =	strace $0x9000004A  }
0x2c: {  	s22 =	sand.u32 $0x80, s24;
	_ =	strace $0x8000004B  }
0x2d: {  	v3 =	vld [tilespmem:s22+$0x0];
	_ =	sdelay $0x4  }
0x2e: {  	v4 =	vshll.u32 v3, $0x1  }
0x2f: {  	v3 =	vand.u32 $0x7, v3;
	v4 =	vand.u32 $0xFFFFFFF0, v4  }
0x30: {  	v3 =	vor.u32 v3, v4  }
0x31: {  	v4 =	vperm.xlane v3, v0;
	_ =	sdelay $0x1  }
0x32: {  	v3 =	vperm.xlane v3, v2;
	v4 =	vadd.s32 v1, v4;
	_ =	sdelay $0x1  }
0x33: {  	s19 =	sand.u32 $0x1, s17;
	v3 =	vadd.s32 v1, v3  }
0x34: {  	s21 =	sshll.u32 s19, $0xF  }
0x35: {  	s20 =	sor.u32 $0x100, s21  }
0x36: {  	[tilespmem:s20], [sflag:$0x5] =	stream.indirect_vreg.gather [hbm4b:s1+s4], $0x80, v4, vm0, $0x2000b8;
	[tilespmem:$0x10100] =	vst v63  }
0x37: {  	s23 =	sor.u32 $0x900, s21  }
0x38: {  	[tilespmem:s23], [sflag:$0x5] =	stream.indirect_vreg.gather [hbm4b:s1+s4], $0x80, v3, vm0, $0x2000b8;
	[tilespmem:$0x10100] =	vst v63  }
0x39: {  	v3 =	vld [tilespmem:s22+$0x10];
	_ =	sdelay $0x4  }
0x3a: {  	v57 =	vshll.u32 v3, $0x1  }
0x3b: {  	v3 =	vand.u32 $0x7, v3;
	v4 =	vand.u32 $0xFFFFFFF0, v57  }
0x3c: {  	v3 =	vor.u32 v3, v4  }
0x3d: {  	v4 =	vperm.xlane v3, v0;
	_ =	sdelay $0x1  }
0x3e: {  	v3 =	vperm.xlane v3, v2;
	v4 =	vadd.s32 v1, v4;
	_ =	sdelay $0x1  }
0x3f: {  	v3 =	vadd.s32 v1, v3;
	_ =	sdelay $0x1  }
0x40: {  	s25 =	sor.u32 $0x1100, s21  }
0x41: {  	[tilespmem:s25], [sflag:$0x5] =	stream.indirect_vreg.gather [hbm4b:s1+s4], $0x80, v4, vm0, $0x2000b8;
	[tilespmem:$0x10100] =	vst v63  }
0x42: {  	s26 =	sor.u32 $0x1900, s21  }
0x43: {  	[tilespmem:s26], [sflag:$0x5] =	stream.indirect_vreg.gather [hbm4b:s1+s4], $0x80, v3, vm0, $0x2000b8;
	[tilespmem:$0x10100] =	vst v63  }
0x44: {  	v3 =	vld [tilespmem:s22+$0x20];
	_ =	sdelay $0x4  }
0x45: {  	v58 =	vshll.u32 v3, $0x1  }
0x46: {  	v3 =	vand.u32 $0x7, v3;
	v4 =	vand.u32 $0xFFFFFFF0, v58  }
0x47: {  	v3 =	vor.u32 v3, v4  }
0x48: {  	v4 =	vperm.xlane v3, v0;
	_ =	sdelay $0x1  }
0x49: {  	v3 =	vperm.xlane v3, v2;
	v4 =	vadd.s32 v1, v4;
	_ =	sdelay $0x1  }
0x4a: {  	v3 =	vadd.s32 v1, v3;
	_ =	sdelay $0x1  }
0x4b: {  	s28 =	sor.u32 $0x2100, s21  }
0x4c: {  	[tilespmem:s28], [sflag:$0x5] =	stream.indirect_vreg.gather [hbm4b:s1+s4], $0x80, v4, vm0, $0x2000b8;
	[tilespmem:$0x10100] =	vst v63  }
0x4d: {  	s29 =	sor.u32 $0x2900, s21  }
0x4e: {  	[tilespmem:s29], [sflag:$0x5] =	stream.indirect_vreg.gather [hbm4b:s1+s4], $0x80, v3, vm0, $0x2000b8;
	[tilespmem:$0x10100] =	vst v63  }
0x4f: {  	v3 =	vld [tilespmem:s22+$0x30];
	_ =	sdelay $0x4  }
0x50: {  	v59 =	vshll.u32 v3, $0x1  }
0x51: {  	v3 =	vand.u32 $0x7, v3;
	v4 =	vand.u32 $0xFFFFFFF0, v59  }
0x52: {  	v3 =	vor.u32 v3, v4  }
0x53: {  	v4 =	vperm.xlane v3, v0;
	_ =	sdelay $0x1  }
0x54: {  	v3 =	vperm.xlane v3, v2;
	v4 =	vadd.s32 v1, v4;
	_ =	sdelay $0x1  }
0x55: {  	v3 =	vadd.s32 v1, v3;
	_ =	sdelay $0x1  }
0x56: {  	s30 =	sor.u32 $0x3100, s21  }
0x57: {  	[tilespmem:s30], [sflag:$0x5] =	stream.indirect_vreg.gather [hbm4b:s1+s4], $0x80, v4, vm0, $0x2000b8;
	[tilespmem:$0x10100] =	vst v63  }
0x58: {  	s31 =	sor.u32 $0x3900, s21  }
0x59: {  	[tilespmem:s31], [sflag:$0x5] =	stream.indirect_vreg.gather [hbm4b:s1+s4], $0x80, v3, vm0, $0x2000b8;
	[tilespmem:$0x10100] =	vst v63  }
0x5a: {  	v3 =	vld [tilespmem:s22+$0x40];
	_ =	sdelay $0x4  }
0x5b: {  	v60 =	vshll.u32 v3, $0x1  }
0x5c: {  	v3 =	vand.u32 $0x7, v3;
	v4 =	vand.u32 $0xFFFFFFF0, v60  }
0x5d: {  	v3 =	vor.u32 v3, v4  }
0x5e: {  	v4 =	vperm.xlane v3, v0;
	_ =	sdelay $0x1  }
0x5f: {  	v3 =	vperm.xlane v3, v2;
	v4 =	vadd.s32 v1, v4;
	_ =	sdelay $0x1  }
0x60: {  	v3 =	vadd.s32 v1, v3;
	_ =	sdelay $0x1  }
0x61: {  	s24 =	sor.u32 $0x4100, s21  }
0x62: {  	[tilespmem:s24], [sflag:$0x5] =	stream.indirect_vreg.gather [hbm4b:s1+s4], $0x80, v4, vm0, $0x2000b8;
	[tilespmem:$0x10100] =	vst v63  }
0x63: {  	s25 =	sor.u32 $0x4900, s21  }
0x64: {  	[tilespmem:s25], [sflag:$0x5] =	stream.indirect_vreg.gather [hbm4b:s1+s4], $0x80, v3, vm0, $0x2000b8;
	[tilespmem:$0x10100] =	vst v63  }
0x65: {  	v3 =	vld [tilespmem:s22+$0x50];
	_ =	sdelay $0x4  }
0x66: {  	v61 =	vshll.u32 v3, $0x1  }
0x67: {  	v3 =	vand.u32 $0x7, v3;
	v4 =	vand.u32 $0xFFFFFFF0, v61  }
0x68: {  	v3 =	vor.u32 v3, v4  }
0x69: {  	v4 =	vperm.xlane v3, v0;
	_ =	sdelay $0x1  }
0x6a: {  	v3 =	vperm.xlane v3, v2;
	v4 =	vadd.s32 v1, v4;
	_ =	sdelay $0x1  }
0x6b: {  	v3 =	vadd.s32 v1, v3;
	_ =	sdelay $0x1  }
0x6c: {  	s26 =	sor.u32 $0x5100, s21  }
0x6d: {  	[tilespmem:s26], [sflag:$0x5] =	stream.indirect_vreg.gather [hbm4b:s1+s4], $0x80, v4, vm0, $0x2000b8;
	[tilespmem:$0x10100] =	vst v63  }
0x6e: {  	s28 =	sor.u32 $0x5900, s21  }
0x6f: {  	[tilespmem:s28], [sflag:$0x5] =	stream.indirect_vreg.gather [hbm4b:s1+s4], $0x80, v3, vm0, $0x2000b8;
	[tilespmem:$0x10100] =	vst v63  }
0x70: {  	v3 =	vld [tilespmem:s22+$0x60];
	_ =	sdelay $0x4  }
0x71: {  	v62 =	vshll.u32 v3, $0x1  }
0x72: {  	v3 =	vand.u32 $0x7, v3;
	v4 =	vand.u32 $0xFFFFFFF0, v62  }
0x73: {  	v3 =	vor.u32 v3, v4  }
0x74: {  	v4 =	vperm.xlane v3, v0;
	_ =	sdelay $0x1  }
0x75: {  	v3 =	vperm.xlane v3, v2;
	v4 =	vadd.s32 v1, v4;
	_ =	sdelay $0x1  }
0x76: {  	v3 =	vadd.s32 v1, v3;
	_ =	sdelay $0x1  }
0x77: {  	s29 =	sor.u32 $0x6100, s21  }
0x78: {  	[tilespmem:s29], [sflag:$0x5] =	stream.indirect_vreg.gather [hbm4b:s1+s4], $0x80, v4, vm0, $0x2000b8;
	[tilespmem:$0x10100] =	vst v63  }
0x79: {  	s30 =	sor.u32 $0x6900, s21  }
0x7a: {  	[tilespmem:s30], [sflag:$0x5] =	stream.indirect_vreg.gather [hbm4b:s1+s4], $0x80, v3, vm0, $0x2000b8;
	[tilespmem:$0x10100] =	vst v63  }
0x7b: {  	v3 =	vld [tilespmem:s22+$0x70];
	_ =	sdelay $0x4  }
0x7c: {  	v63 =	vshll.u32 v3, $0x1  }
0x7d: {  	v3 =	vand.u32 $0x7, v3;
	v4 =	vand.u32 $0xFFFFFFF0, v63  }
0x7e: {  	v3 =	vor.u32 v3, v4  }
0x7f: {  	v4 =	vperm.xlane v3, v0;
	_ =	sdelay $0x1  }
0x80: {  	v3 =	vperm.xlane v3, v2;
	v4 =	vadd.s32 v1, v4;
	_ =	sdelay $0x1  }
0x81: {  	v3 =	vadd.s32 v1, v3;
	_ =	sdelay $0x1  }
0x82: {  	p2 =	por !p2, !p2;
	p3 =	seq.s32 s18, s13;
	s31 =	sor.u32 $0x7100, s21  }
0x83: {  	[tilespmem:s31], [sflag:$0x5] =	stream.indirect_vreg.gather [hbm4b:s1+s4], $0x80, v4, vm0, $0x2000b8;
	[tilespmem:$0x10100] =	vst v63  }
0x84: {  	p2 =	por !p2, !p3;
	s21 =	sor.u32 $0x7900, s21  }
0x85: {  	[tilespmem:s21], [sflag:$0x5] =	stream.indirect_vreg.gather [hbm4b:s1+s4], $0x80, v3, vm0, $0x2000b8;
	[tilespmem:$0x10100] =	vst v63  }
0x86: {  	s18 =	sadd.s32 s6, s18;
	p2 =	por !p2, !p2;
	_ =	swait.ge [sflag:s9], $0x8000  }
0x87: {  	s18 =	sshll.u32 @!p2 s18, $0xC;
	p0 =	por p2, p0;
	[sflag:s9] =	ssyncset.done $0x0  }
.Ltmp2:
0x88: {  	s18 =	sand.u32 @!p2 $0x1FFFF000, s18;
	[sflag:s9] =	ssyncadd.s32 $0xFFFF8000;
	(pc) =	sbr.rel @!p0 .LBB2_4-.Ltmp2, $4  }
0x89: {  	s18 =	sadd.s32 @!p2 s5, s18;
	_ =	strace $0x9000004B  }
0x8a: {  	s19 =	sadd.s32 @!p2 $0x3, s19;
	s21 =	simm.s32 @!p2 $0x0;
	_ =	strace @!p2 $0x8000004C  }
0x8b: {  	[hbm4b:s18+s21] =	stream.linear.scatter @!p2 [tilespmem:s20], [sflag:s19], $0x8000, $0x200038;
	[tilespmem:$0x10100] =	vst v63  }
0x8c: {  	_ =	strace @!p2 $0x9000004C  }
.Ltmp3:
0x8d: {  	s18 =	simm.s32 $0x1;
	(pc) =	sbr.rel .LBB2_2-.Ltmp3, $4  }
0x8e: {  	s19 =	simm.s32 @!p2 $0x1;
	s12 =	sadd.s32 s16, s12;
	s18 =	simm.s32 @!p1 $0x0  }
0x8f: {  	s16 =	simm.s32 $0x1;
	s15 =	sadd.s32 s18, s15;
	s18 =	sadd.s32 @!p2 $0x1, s17  }
0x90: {  	p0 =	por $0x0, $0x0;
	s19 =	simm.s32 @p2 $0x0;
	s18 =	smov.u32 @p2 s17  }
0x91: {  	s14 =	sadd.s32 s14, s19;
	p2 =	por $0x1, $0x1;
	s17 =	smov.u32 s18  }
.LBB2_5:
0x92: {  	_ =	sfence.sel $0x180000  }
0x93: {  	[bflag:$0x0] =	sbarrier.arrive $0xFFFF  }
0x94: {  	p0 =	sne.s32 s3, $0x0;
	_ =	strace $0x90000047  }
0x95: {  	s0 =	sadd.s32 @!p0 $0x100000, s0;
	[bflag:$0x2] =	sbarrier.arrive $0xFFFF  }
0x96: {  	[sflag:s0] =	ssyncadd.tile.s32 @!p0 $0x1;
	_ =	shalt  }
.Lfunc_end2:
_tile_overlayer_lowered:
.L_overlay_start_2:
0x97: {  	(tag) =	ssettag $0x2  }
0x98: {  	s0 =	rddreg [dreg:$0x0];
	s2 =	stileid.u32  }
0x99: {  	s1 =	rddreg [dreg:$0x1];
	p0 =	sne.s32 s2, $0x0  }
0x9a: {  	s3 =	rddreg [dreg:$0x2];
	[bflag:$0x3] =	sbarrier.arrive $0xFFFF;
	s2 =	simm.s32 @!p0 $0x1C01  }
0x9b: {  	[timem:s3], [sflag:s2] =	dma.local @!p0 [hbm:s0], s1  }
0x9c: {  	s0 =	simm.s32 @!p0 $0x1  }
0x9d: {  	_ =	swait.ge @!p0 [sflag:s0], s1  }
0x9e: {  	s1 =	ssub.s32 @!p0 $0x0, s1;
	[sflag:s0] =	ssyncset.done @!p0 $0x0  }
0x9f: {  	[sflag:s0] =	ssyncadd.s32 @!p0 s1  }
0xa0: {  	[bflag:$0x3] =	sbarrier.arrive $0xFFFF  }
0xa1: {  	_ =	shalt  }

// kernel: kernel.13.cloned.1.call-start
scs
__scs_entry_jumppad:
0x0: {  	(pc) =	sbr.rel $0x88, $3  }
0x1: {  	(tag) =	ssettag $0x0;
	lr =	simm.s32 $0x1  }
0x2: {  	[smem:$0x3F93] =	sst lr;
	_ =	strace $0xD0000000  }
0x3: {  	_ = 	snop  }
0x4: {  	_ = 	snop  }
0x5: {  	_ = 	snop  }
0x6: {  	_ = 	snop  }
0x7: {  	_ = 	snop  }
__scs_overlays_trampoline_lowered:
0x8: {  	[smem:$0x3FA2] =	sst s0  }
0x9: {  	[smem:$0x3FA3] =	sst s1  }
0xa: {  	[smem:$0x3FA4] =	sst s2  }
0xb: {  	[smem:$0x3FA5] =	sst s3  }
0xc: {  	[smem:$0x3FA6] =	sst s4  }
0xd: {  	[smem:$0x3FA7] =	sst s5  }
0xe: {  	[smem:$0x3FA8] =	sst s6  }
0xf: {  	[smem:$0x3FA9] =	sst s7  }
0x10: {  	[smem:$0x3FAA] =	sst s8  }
0x11: {  	[smem:$0x3FAB] =	sst s9;
	s0 =	simm.s32 @!p0 $0x0  }
0x12: {  	s1 =	sld [smem:$0x3F91];
	s0 =	simm.s32 @p0 $0x1  }
0x13: {  	[smem:$0x3FAC] =	sst s0;
	s0 =	simm.s32 @!p1 $0x0  }
0x14: {  	s2 =	sld [smem:$0x3F90];
	s0 =	simm.s32 @p1 $0x1  }
0x15: {  	[smem:$0x3FAD] =	sst s0;
	s0 =	simm.s32 @!p2 $0x0  }
0x16: {  	s3 =	sld [smem:$0x3FDB];
	s0 =	simm.s32 @p2 $0x1  }
0x17: {  	s4 =	simm.s32 $0x1BF5;
	[smem:$0x3FAF] =	sst s0  }
0x18: {  	s0 =	sld [smem:$0x3F92];
	_ =	swait.ge [sflag:s4], $0x0  }
0x19: {  	s7 =	sld [smem:$0x3F93]  }
0x1a: {  	s8 =	sadd.s32 $0xFFFFE003, lr  }
0x1b: {  	s9 =	sadd.s32 $0xFFFFFEF7, lr;
	s5 =	simm.s32 $0xFFFFFFFF;
	p2 =	slt.u32 s8, $0xFFFFF086  }
0x1c: {  	p1 =	slt.u32 s9, $0xF7A;
	s5 =	simm.s32 @!p2 $0x0  }
0x1d: {  	s5 =	simm.s32 @p1 $0x1;
	p0 =	seq.s32 s7, s2  }
0x1e: {  	s7 =	smul.u32 @!p0 $0xF7A, s2;
	p2 =	seq.s32 @!p0 s5, $0x0  }
0x1f: {  	s9 =	smul.u32 $0xF7A, s1;
	s8 =	simm.s32 @!p0 $0x1BF5;
	p2 =	por !p2, p0  }
0x20: {  	[sflag:s8] =	ssyncset.s32 @!p0 $0xFFFFF086;
	s6 =	sadd.s32 @!p0 s3, s7;
	s7 =	simm.s32 @!p0 $0x108  }
0x21: {  	s3 =	sadd.s32 s3, s9;
	s6 =	sadd.s32 @!p0 $0x88, s6;
	s7 =	simm.s32 @p2 $0x1082  }
0x22: {  	[simem:s7], [sflag:s8] =	dma.local @!p0 [hbm:s6], $0xF7A  }
0x23: {  	s9 =	sor.u32 $0xD0000000, s2;
	s6 =	simm.s32 $0x108;
	_ =	swait.ge @!p0 [sflag:s8], $0x0  }
0x24: {  	s3 =	sadd.s32 $0x88, s3;
	s6 =	simm.s32 @!p1 $0x1082;
	[sflag:s4] =	ssyncset.s32 $0xFFFFF086  }
0x25: {  	[simem:s6], [sflag:s4] =	dma.local [hbm:s3], $0xF7A  }
0x26: {  	[smem:$0x3F93] =	sst s1;
	(tag) =	ssettag s2;
	_ =	strace s9  }
0x27: {  	s1 =	sld [smem:$0x3FA3]  }
0x28: {  	s2 =	sld [smem:$0x3FA4]  }
0x29: {  	s4 =	sld [smem:$0x3FA6]  }
0x2a: {  	p0 =	seq.s32 s5, $0x0;
	s5 =	sld [smem:$0x3FA7]  }
0x2b: {  	s6 =	sld [smem:$0x3FA8]  }
0x2c: {  	s7 =	sld [smem:$0x3FA9]  }
0x2d: {  	s3 =	simm.s32 $0x108;
	s8 =	sld [smem:$0x3FAA]  }
0x2e: {  	s3 =	simm.s32 @!p0 $0x1082;
	s9 =	sld [smem:$0x3FAB]  }
0x2f: {  	lr =	sadd.s32 s0, s3;
	s0 =	sld [smem:$0x3FA2]  }
0x30: {  	s3 =	sld [smem:$0x3FA5]  }
0x31: {  	[smem:$0x3FAE] =	sst s10  }
0x32: {  	s10 =	sld [smem:$0x3FAC];
	_ =	sdelay $0x3  }
0x33: {  	p0 =	seq.s32 s10, $0x1;
	s10 =	sld [smem:$0x3FAE];
	_ =	sdelay $0x3  }
0x34: {  	[smem:$0x3FAE] =	sst s10  }
0x35: {  	s10 =	sld [smem:$0x3FAD];
	_ =	sdelay $0x3  }
0x36: {  	p1 =	seq.s32 s10, $0x1;
	s10 =	sld [smem:$0x3FAE];
	_ =	sdelay $0x3  }
0x37: {  	[smem:$0x3FAE] =	sst s10  }
0x38: {  	s10 =	sld [smem:$0x3FAF]  }
0x39: {  	_ = 	snop;
	(pc) =	sbr.ind lr, $3  }
0x3a: {  	_ = 	snop  }
0x3b: {  	_ = 	snop  }
0x3c: {  	p2 =	seq.s32 s10, $0x1;
	s10 =	sld [smem:$0x3FAE]  }
0x3d: {  	_ =	shalt  }
0x3e: {  	_ =	shalt  }
0x3f: {  	_ =	shalt  }
0x40: {  	_ =	shalt  }
0x41: {  	_ =	shalt  }
0x42: {  	_ =	shalt  }
0x43: {  	_ =	shalt  }
0x44: {  	_ =	shalt  }
0x45: {  	_ =	shalt  }
0x46: {  	_ =	shalt  }
0x47: {  	_ =	shalt  }
0x48: {  	_ =	shalt  }
0x49: {  	_ =	shalt  }
0x4a: {  	_ =	shalt  }
0x4b: {  	_ =	shalt  }
0x4c: {  	_ =	shalt  }
0x4d: {  	_ =	shalt  }
0x4e: {  	_ =	shalt  }
0x4f: {  	_ =	shalt  }
0x50: {  	_ =	shalt  }
0x51: {  	_ =	shalt  }
0x52: {  	_ =	shalt  }
0x53: {  	_ =	shalt  }
0x54: {  	_ =	shalt  }
0x55: {  	_ =	shalt  }
0x56: {  	_ =	shalt  }
0x57: {  	_ =	shalt  }
0x58: {  	_ =	shalt  }
0x59: {  	_ =	shalt  }
0x5a: {  	_ =	shalt  }
0x5b: {  	_ =	shalt  }
0x5c: {  	_ =	shalt  }
0x5d: {  	_ =	shalt  }
0x5e: {  	_ =	shalt  }
0x5f: {  	_ =	shalt  }
0x60: {  	_ =	shalt  }
0x61: {  	_ =	shalt  }
0x62: {  	_ =	shalt  }
0x63: {  	_ =	shalt  }
0x64: {  	_ =	shalt  }
0x65: {  	_ =	shalt  }
0x66: {  	_ =	shalt  }
0x67: {  	_ =	shalt  }
0x68: {  	_ =	shalt  }
0x69: {  	_ =	shalt  }
0x6a: {  	_ =	shalt  }
0x6b: {  	_ =	shalt  }
0x6c: {  	_ =	shalt  }
0x6d: {  	_ =	shalt  }
0x6e: {  	_ =	shalt  }
0x6f: {  	_ =	shalt  }
0x70: {  	_ =	shalt  }
0x71: {  	_ =	shalt  }
0x72: {  	_ =	shalt  }
0x73: {  	_ =	shalt  }
0x74: {  	_ =	shalt  }
0x75: {  	_ =	shalt  }
0x76: {  	_ =	shalt  }
0x77: {  	_ =	shalt  }
0x78: {  	_ =	shalt  }
0x79: {  	_ =	shalt  }
0x7a: {  	_ =	shalt  }
0x7b: {  	_ =	shalt  }
0x7c: {  	_ =	shalt  }
0x7d: {  	_ =	shalt  }
0x7e: {  	_ =	shalt  }
0x7f: {  	_ =	shalt  }
0x80: {  	_ =	shalt  }
0x81: {  	_ =	shalt  }
0x82: {  	_ =	shalt  }
0x83: {  	_ =	shalt  }
0x84: {  	_ =	shalt  }
0x85: {  	_ =	shalt  }
0x86: {  	_ =	shalt  }
0x87: {  	_ =	shalt  }
.Lfunc_end0:
.L_simem_size_0:
called_computation.1_lowered:
.L_overlay_start_0:
0x88: {  	s2 =	sld [smem:$0x3FD9]  }
0x89: {  	s3 =	sld [smem:$0x3FFE];
	_ =	sdelay $0x1  }
0x8a: {  	s1 =	srdreg.scid  }
0x8b: {  	s0 =	sand.u32 $0x1, s1  }
0x8c: {  	s16 =	sshll.u32 s0, $0xA;
	s2 =	sadd.s32 s3, s2  }
0x8d: {  	s2 =	sadd.s32 s2, s16  }
0x8e: {  	[smem:$0x3FBA] =	sst s2  }
0x8f: {  	_ = 	snop  }
0x90: {  	s17 =	sld [smem:$0x3FD0];
	_ =	sdelay $0x2  }
0x91: {  	s5 =	simm.s32 $0xB;
	s4 =	simm.s32 $0x10;
	s2 =	sld [smem:$0x3FC7]  }
0x92: {  	[smem:s4], [sflag:s5] =	dma.local [hbm:s17], $0x1  }
0x93: {  	_ =	swait.eq [sflag:s5], $0x1  }
0x94: {  	[sflag:s5] =	ssyncset.done $0x0  }
0x95: {  	s18 =	sld [smem:$0x10];
	[sflag:s5] =	ssyncadd.s32 $0xFFFFFFFF  }
0x96: {  	s19 =	sld [smem:$0x12];
	(tm) =	ssettm $0x1  }
0x97: {  	s20 =	sld [smem:$0x3FFB];
	_ =	sdelay $0x3  }
0x98: {  	_ =	strace s20  }
0x99: {  	s3 =	sld [smem:$0x3FFC];
	_ =	sdelay $0x3  }
0x9a: {  	_ =	strace s3  }
0x9b: {  	s3 =	sld [smem:$0x3FFD];
	_ =	sdelay $0x3  }
0x9c: {  	_ =	strace s3  }
0x9d: {  	_ =	strace $0x8FFFFFFF  }
0x9e: {  	s21 =	sld [smem:$0x3FDB];
	_ =	sdelay $0x1  }
0x9f: {  	s6 =	simm.s32 $_scs_section_size  }
0xa0: {  	s7 =	simm.s32 $_size__tile_overlayer_lowered;
	s8 =	simm.s32 $_tile_overlayer_lowered  }
0xa1: {  	s9 =	simm.s32 $0x1BFF;
	s22 =	sshll.u32 s8, $0x1;
	s6 =	sadd.s32 s6, s21  }
0xa2: {  	s23 =	simm.s32 $0x0;
	s7 =	sshll.u32 s7, $0x1;
	s8 =	sadd.s32 s22, s6  }
0xa3: {  	[timem:s23], [sflag:s9] =	dma.local [hbm:s8], s7  }
0xa4: {  	_ =	swait.ge [sflag:s9], s7  }
0xa5: {  	s7 =	ssub.s32 $0x0, s7;
	[sflag:s9] =	ssyncset.done $0x0  }
0xa6: {  	[sflag:s9] =	ssyncadd.s32 s7;
	_ =	sdelay $0x1  }
0xa7: {  	s24 =	simm.s32 $0x1B8B  }
0xa8: {  	_ =	swait.ge [sflag:s24], $0x1  }
0xa9: {  	[sflag:s24] =	ssyncset.done $0x0  }
0xaa: {  	[sflag:s24] =	ssyncadd.s32 $0xFFFFFFFF  }
0xab: {  	s7 =	sld [smem:$0x0]  }
0xac: {  	s8 =	sand.u32 $0xFFFFFFFE, s1  }
0xad: {  	p0 =	sne.s32 s1, s8  }
0xae: {  	s8 =	sshll.u32 @p0 s8, $0xE  }
0xaf: {  	s8 =	sadd.s32 @p0 $0x11B8D, s8;
	s9 =	sshll.u32 @p0 s7, $0x11  }
0xb0: {  	s8 =	sor.u32 @p0 s9, s8  }
0xb1: {  	[sflag:s8] =	ssyncadd.remote.s32 @p0 $0x1;
	_ =	sdelay $0x1  }
0xb2: {  	s8 =	simm.s32 @p0 $0x1B8D  }
0xb3: {  	_ =	swait.eq @p0 [sflag:s8], $0x1  }
0xb4: {  	[sflag:s8] =	ssyncadd.s32 @p0 $0xFFFFFFFF  }
0xb5: {  	s9 =	sshll.u32 @!p0 s1, $0xE  }
0xb6: {  	s9 =	sor.u32 @!p0 $0x4000, s9;
	s8 =	simm.s32 @!p0 $0x1B8D  }
0xb7: {  	s7 =	sshll.u32 @!p0 s7, $0x11;
	s9 =	sadd.s32 @!p0 $0x11B8D, s9;
	_ =	swait.eq @!p0 [sflag:s8], $0x1  }
0xb8: {  	s7 =	sor.u32 @!p0 s7, s9;
	[sflag:s8] =	ssyncadd.s32 @!p0 $0xFFFFFFFF  }
0xb9: {  	s25 =	simm.s32 $0x1B8E;
	[sflag:s7] =	ssyncadd.remote.s32 @!p0 $0x1  }
0xba: {  	s26 =	simm.s32 $execute0_lowered;
	[smem:$0x3FD2] =	sst s25  }
0xbb: {  	s7 =	sshll.u32 s26, $0x1;
	_ =	strace $0x80000050;
	[dreg:$0x1] =	wrdreg $0xFFFFFFFF  }
0xbc: {  	s28 =	simm.s32 $_size_execute0_lowered;
	s6 =	sadd.s32 s6, s7;
	[dreg:$0x0] =	wrdreg $0x0  }
0xbd: {  	s7 =	sshll.u32 s28, $0x1;
	[dreg:$0x2] =	wrdreg s6  }
0xbe: {  	[dreg:$0x3] =	wrdreg s7  }
0xbf: {  	[dreg:$0x4] =	wrdreg $0xC0  }
0xc0: {  	_ =	task [dreg:s23], $0x5FFFF  }
0xc1: {  	[dreg:$0x1] =	wrdreg $0xFFFFFFFF  }
0xc2: {  	[dreg:$0x0] =	wrdreg $0x60  }
0xc3: {  	[dreg:$0x2] =	wrdreg s2  }
0xc4: {  	[dreg:$0x3] =	wrdreg s19  }
0xc5: {  	[dreg:$0x4] =	wrdreg s18  }
0xc6: {  	[dreg:$0x5] =	wrdreg $0xA  }
0xc7: {  	_ =	task.clear_ibuf [dreg:s23], $0x6FFFF;
	_ =	strace $0x90000050  }
0xc8: {  	s29 =	simm.s32 $0xA;
	_ =	strace $0x80000059  }
0xc9: {  	_ =	swait.ge [sflag:s29], $0x1  }
0xca: {  	[sflag:s29] =	ssyncadd.s32 $0xFFFFFFFF  }
0xcb: {  	_ =	strace $0x90000059  }
0xcc: {  	_ =	sfence  }
0xcd: {  	s30 =	sld [smem:$0x0];
	_ =	sdelay $0x2  }
0xce: {  	s31 =	sshll.u32 s1, $0xD;
	s1 =	sshrl.u32 s1, $0x2  }
0xcf: {  	s4 =	sand.u32 $0x4000, s31;
	s1 =	sadd.s32 s1, s30  }
0xd0: {  	s0 =	sor.u32 s4, s0;
	s1 =	sshll.u32 s1, $0x11  }
0xd1: {  	s0 =	sor.u32 s1, s0  }
0xd2: {  	s0 =	sadd.s32 $0x8F2B, s0  }
0xd3: {  	[sflag:s0] =	ssyncadd.remote.s32 $0x1  }
0xd4: {  	_ =	sfence.sel $0xFFFF  }
0xd5: {  	[dreg:$0x0] =	wrdreg $0xFFFFFFFF;
	(pc) =	sbr.abs _section_cstart, $3  }
0xd6: {  	[dreg:$0x1] =	wrdreg $0xFFFFFFFF  }
0xd7: {  	_ =	task.clear_ibuf [dreg:s23], $0x2FFFF;
	_ =	strace $0x9FFFFFFF  }
0xd8: {  	(tm) =	ssettm $0x7FFFFFFF  }
0xd9: {  	_ =	shalt  }
tec
execute0_lowered:
.L_overlay_start_1:
0x0: {  	(tag) =	ssettag $0x1  }
0x1: {  	s1 =	rddreg [dreg:$0x0]  }
0x2: {  	s2 =	rddreg [dreg:$0x1]  }
0x3: {  	s3 =	rddreg [dreg:$0x2]  }
0x4: {  	s4 =	srdreg.scid;
	s0 =	rddreg [dreg:$0x3]  }
0x5: {  	s5 =	simm.s32 $0x0;
	s9 =	simm.s32 $0x5;
	s10 =	simm.s32 $0x4  }
.Ltmp0:
0x6: {  	s11 =	simm.s32 $0x0;
	s6 =	sand.u32 $0x1, s4;
	(pc) =	sbr.rel .LBB2_1-.Ltmp0, $4  }
0x7: {  	s4 =	stileid.u32;
	s7 =	ssub.s32 $0x2, s6;
	s6 =	sshll.u32 s6, $0x4  }
0x8: {  	v2 =	vlaneseq.u32;
	[smem:$0x7FF] =	sst s5;
	s8 =	sshrl.u32 s7, $0x1;
	s6 =	sor.u32 s4, s6  }
0x9: {  	vm0 =	vmmov $0xffff;
	v1 =	vshrl.u32 v2, $0x3;
	_ =	strace $0x80000051;
	s8 =	ssub.s32 s7, s8;
	s31 =	sshll.u32 s6, $0x5  }
0xa: {  	v0 =	vand.u32 $0x7, v2;
	v2 =	vor.u32 $0x8, v2;
	v1 =	vmul.u32 $0x8, v1;
	s6 =	sshll.u32 s6, $0x1;
	s7 =	sadd.s32 s2, s31;
	s8 =	smax.u32 s8, $0x1  }
.LBB2_4:
0xb: {  	s12 =	sand.u32 $0x1, s12  }
0xc: {  	_ =	strace $0x80000057;
	s12 =	sadd.s32 $0x3, s12  }
0xd: {  	_ =	swait.ge [sflag:s12], $0x8000  }
0xe: {  	[sflag:s12] =	ssyncset.done $0x0  }
0xf: {  	s11 =	sadd.s32 $0x1, s11;
	[sflag:s12] =	ssyncadd.s32 $0xFFFF8000  }
0x10: {  	p0 =	sne.s32 s11, s8;
	_ =	strace $0x90000057  }
.Ltmp1:
0x11: {  	_ =	strace $0x80000058;
	(pc) =	sbr.rel @!p0 .LBB2_5-.Ltmp1, $4  }
0x12: {  	_ =	swait.ge [sflag:s10], $0x8000  }
0x13: {  	[sflag:s10] =	ssyncset.done $0x0  }
0x14: {  	[sflag:s10] =	ssyncadd.s32 $0xFFFF8000  }
0x15: {  	_ =	strace $0x90000058  }
.LBB2_1:
0x16: {  	_ =	strace $0x80000052  }
0x17: {  	p0 =	por $0x1, $0x1;
	p2 =	por $0x0, $0x0;
	s13 =	simm.s32 $0x0  }
0x18: {  	s12 =	simm.s32 $0x0;
	s17 =	simm.s32 $0x0;
	s14 =	simm.s32 $0x0  }
0x19: {  	[tilespmem:s5], [sflag:$0x1] =	stream.linear.gather [hbm4b:s7+s5], $0x80, $0x200038;
	[tilespmem:$0x10100] =	vst v63  }
0x1a: {  	s15 =	simm.s32 $0x1;
	s16 =	simm.s32 $0x0;
	_ =	strace $0x90000052  }
.LBB2_2:
0x1b: {  	s18 =	smov.u32 s13;
	s13 =	sadd.s32 $0x1, s13  }
0x1c: {  	p1 =	seq.s32 s13, $0x2  }
0x1d: {  	s13 =	simm.s32 @p1 $0x0  }
0x1e: {  	p1 =	sne.s32 s18, s13  }
0x1f: {  	p1 =	por !p0, !p1  }
0x20: {  	p1 =	por !p1, !p1  }
0x21: {  	s19 =	sadd.s32 @p1 s6, s13  }
0x22: {  	s20 =	sand.u32 @p1 $0x1, s15;
	s19 =	sshll.u32 @p1 s19, $0x4  }
0x23: {  	_ =	strace @p1 $0x80000053;
	s22 =	simm.s32 @p1 $0x0;
	s19 =	sand.u32 @p1 $0x1FFFFFF0, s19  }
0x24: {  	s21 =	sshll.u32 @p1 s20, $0x7;
	s20 =	sadd.s32 @p1 $0x1, s20;
	s19 =	sadd.s32 @p1 s2, s19  }
0x25: {  	[tilespmem:s21], [sflag:s20] =	stream.linear.gather @p1 [hbm4b:s19+s22], $0x80, $0x200038;
	[tilespmem:$0x10100] =	vst v63  }
0x26: {  	s23 =	sand.u32 $0x1, s14;
	_ =	strace @p1 $0x90000053  }
0x27: {  	s19 =	sadd.s32 $0x1, s23;
	_ =	strace $0x80000054  }
0x28: {  	_ =	swait.ge [sflag:s19], $0x80  }
0x29: {  	[sflag:s19] =	ssyncset.done $0x0  }
0x2a: {  	[sflag:s19] =	ssyncadd.s32 $0xFFFFFF80  }
0x2b: {  	s24 =	sshll.u32 s14, $0x7;
	_ =	strace $0x90000054  }
0x2c: {  	s22 =	sand.u32 $0x80, s24;
	_ =	strace $0x80000055  }
0x2d: {  	v3 =	vld [tilespmem:s22+$0x0];
	_ =	sdelay $0x4  }
0x2e: {  	v4 =	vshll.u32 v3, $0x1  }
0x2f: {  	v3 =	vand.u32 $0x7, v3;
	v4 =	vand.u32 $0xFFFFFFF0, v4  }
0x30: {  	v3 =	vor.u32 v3, v4  }
0x31: {  	v4 =	vperm.xlane v3, v0;
	_ =	sdelay $0x1  }
0x32: {  	v3 =	vperm.xlane v3, v2;
	v4 =	vadd.s32 v1, v4;
	_ =	sdelay $0x1  }
0x33: {  	s19 =	sand.u32 $0x1, s17;
	v3 =	vadd.s32 v1, v3  }
0x34: {  	s21 =	sshll.u32 s19, $0xF  }
0x35: {  	s20 =	sor.u32 $0x100, s21  }
0x36: {  	[tilespmem:s20], [sflag:$0x5] =	stream.indirect_vreg.gather [hbm4b:s1+s5], $0x80, v4, vm0, $0x2000b8;
	[tilespmem:$0x10100] =	vst v63  }
0x37: {  	s23 =	sor.u32 $0x900, s21  }
0x38: {  	[tilespmem:s23], [sflag:$0x5] =	stream.indirect_vreg.gather [hbm4b:s1+s5], $0x80, v3, vm0, $0x2000b8;
	[tilespmem:$0x10100] =	vst v63  }
0x39: {  	v3 =	vld [tilespmem:s22+$0x10];
	_ =	sdelay $0x4  }
0x3a: {  	v57 =	vshll.u32 v3, $0x1  }
0x3b: {  	v3 =	vand.u32 $0x7, v3;
	v4 =	vand.u32 $0xFFFFFFF0, v57  }
0x3c: {  	v3 =	vor.u32 v3, v4  }
0x3d: {  	v4 =	vperm.xlane v3, v0;
	_ =	sdelay $0x1  }
0x3e: {  	v3 =	vperm.xlane v3, v2;
	v4 =	vadd.s32 v1, v4;
	_ =	sdelay $0x1  }
0x3f: {  	v3 =	vadd.s32 v1, v3;
	_ =	sdelay $0x1  }
0x40: {  	s25 =	sor.u32 $0x1100, s21  }
0x41: {  	[tilespmem:s25], [sflag:$0x5] =	stream.indirect_vreg.gather [hbm4b:s1+s5], $0x80, v4, vm0, $0x2000b8;
	[tilespmem:$0x10100] =	vst v63  }
0x42: {  	s26 =	sor.u32 $0x1900, s21  }
0x43: {  	[tilespmem:s26], [sflag:$0x5] =	stream.indirect_vreg.gather [hbm4b:s1+s5], $0x80, v3, vm0, $0x2000b8;
	[tilespmem:$0x10100] =	vst v63  }
0x44: {  	v3 =	vld [tilespmem:s22+$0x20];
	_ =	sdelay $0x4  }
0x45: {  	v58 =	vshll.u32 v3, $0x1  }
0x46: {  	v3 =	vand.u32 $0x7, v3;
	v4 =	vand.u32 $0xFFFFFFF0, v58  }
0x47: {  	v3 =	vor.u32 v3, v4  }
0x48: {  	v4 =	vperm.xlane v3, v0;
	_ =	sdelay $0x1  }
0x49: {  	v3 =	vperm.xlane v3, v2;
	v4 =	vadd.s32 v1, v4;
	_ =	sdelay $0x1  }
0x4a: {  	v3 =	vadd.s32 v1, v3;
	_ =	sdelay $0x1  }
0x4b: {  	s28 =	sor.u32 $0x2100, s21  }
0x4c: {  	[tilespmem:s28], [sflag:$0x5] =	stream.indirect_vreg.gather [hbm4b:s1+s5], $0x80, v4, vm0, $0x2000b8;
	[tilespmem:$0x10100] =	vst v63  }
0x4d: {  	s29 =	sor.u32 $0x2900, s21  }
0x4e: {  	[tilespmem:s29], [sflag:$0x5] =	stream.indirect_vreg.gather [hbm4b:s1+s5], $0x80, v3, vm0, $0x2000b8;
	[tilespmem:$0x10100] =	vst v63  }
0x4f: {  	v3 =	vld [tilespmem:s22+$0x30];
	_ =	sdelay $0x4  }
0x50: {  	v59 =	vshll.u32 v3, $0x1  }
0x51: {  	v3 =	vand.u32 $0x7, v3;
	v4 =	vand.u32 $0xFFFFFFF0, v59  }
0x52: {  	v3 =	vor.u32 v3, v4  }
0x53: {  	v4 =	vperm.xlane v3, v0;
	_ =	sdelay $0x1  }
0x54: {  	v3 =	vperm.xlane v3, v2;
	v4 =	vadd.s32 v1, v4;
	_ =	sdelay $0x1  }
0x55: {  	v3 =	vadd.s32 v1, v3;
	_ =	sdelay $0x1  }
0x56: {  	s30 =	sor.u32 $0x3100, s21  }
0x57: {  	[tilespmem:s30], [sflag:$0x5] =	stream.indirect_vreg.gather [hbm4b:s1+s5], $0x80, v4, vm0, $0x2000b8;
	[tilespmem:$0x10100] =	vst v63  }
0x58: {  	s31 =	sor.u32 $0x3900, s21  }
0x59: {  	[tilespmem:s31], [sflag:$0x5] =	stream.indirect_vreg.gather [hbm4b:s1+s5], $0x80, v3, vm0, $0x2000b8;
	[tilespmem:$0x10100] =	vst v63  }
0x5a: {  	v3 =	vld [tilespmem:s22+$0x40];
	_ =	sdelay $0x4  }
0x5b: {  	v60 =	vshll.u32 v3, $0x1  }
0x5c: {  	v3 =	vand.u32 $0x7, v3;
	v4 =	vand.u32 $0xFFFFFFF0, v60  }
0x5d: {  	v3 =	vor.u32 v3, v4  }
0x5e: {  	v4 =	vperm.xlane v3, v0;
	_ =	sdelay $0x1  }
0x5f: {  	v3 =	vperm.xlane v3, v2;
	v4 =	vadd.s32 v1, v4;
	_ =	sdelay $0x1  }
0x60: {  	v3 =	vadd.s32 v1, v3;
	_ =	sdelay $0x1  }
0x61: {  	s24 =	sor.u32 $0x4100, s21  }
0x62: {  	[tilespmem:s24], [sflag:$0x5] =	stream.indirect_vreg.gather [hbm4b:s1+s5], $0x80, v4, vm0, $0x2000b8;
	[tilespmem:$0x10100] =	vst v63  }
0x63: {  	s25 =	sor.u32 $0x4900, s21  }
0x64: {  	[tilespmem:s25], [sflag:$0x5] =	stream.indirect_vreg.gather [hbm4b:s1+s5], $0x80, v3, vm0, $0x2000b8;
	[tilespmem:$0x10100] =	vst v63  }
0x65: {  	v3 =	vld [tilespmem:s22+$0x50];
	_ =	sdelay $0x4  }
0x66: {  	v61 =	vshll.u32 v3, $0x1  }
0x67: {  	v3 =	vand.u32 $0x7, v3;
	v4 =	vand.u32 $0xFFFFFFF0, v61  }
0x68: {  	v3 =	vor.u32 v3, v4  }
0x69: {  	v4 =	vperm.xlane v3, v0;
	_ =	sdelay $0x1  }
0x6a: {  	v3 =	vperm.xlane v3, v2;
	v4 =	vadd.s32 v1, v4;
	_ =	sdelay $0x1  }
0x6b: {  	v3 =	vadd.s32 v1, v3;
	_ =	sdelay $0x1  }
0x6c: {  	s26 =	sor.u32 $0x5100, s21  }
0x6d: {  	[tilespmem:s26], [sflag:$0x5] =	stream.indirect_vreg.gather [hbm4b:s1+s5], $0x80, v4, vm0, $0x2000b8;
	[tilespmem:$0x10100] =	vst v63  }
0x6e: {  	s28 =	sor.u32 $0x5900, s21  }
0x6f: {  	[tilespmem:s28], [sflag:$0x5] =	stream.indirect_vreg.gather [hbm4b:s1+s5], $0x80, v3, vm0, $0x2000b8;
	[tilespmem:$0x10100] =	vst v63  }
0x70: {  	v3 =	vld [tilespmem:s22+$0x60];
	_ =	sdelay $0x4  }
0x71: {  	v62 =	vshll.u32 v3, $0x1  }
0x72: {  	v3 =	vand.u32 $0x7, v3;
	v4 =	vand.u32 $0xFFFFFFF0, v62  }
0x73: {  	v3 =	vor.u32 v3, v4  }
0x74: {  	v4 =	vperm.xlane v3, v0;
	_ =	sdelay $0x1  }
0x75: {  	v3 =	vperm.xlane v3, v2;
	v4 =	vadd.s32 v1, v4;
	_ =	sdelay $0x1  }
0x76: {  	v3 =	vadd.s32 v1, v3;
	_ =	sdelay $0x1  }
0x77: {  	s29 =	sor.u32 $0x6100, s21  }
0x78: {  	[tilespmem:s29], [sflag:$0x5] =	stream.indirect_vreg.gather [hbm4b:s1+s5], $0x80, v4, vm0, $0x2000b8;
	[tilespmem:$0x10100] =	vst v63  }
0x79: {  	s30 =	sor.u32 $0x6900, s21  }
0x7a: {  	[tilespmem:s30], [sflag:$0x5] =	stream.indirect_vreg.gather [hbm4b:s1+s5], $0x80, v3, vm0, $0x2000b8;
	[tilespmem:$0x10100] =	vst v63  }
0x7b: {  	v3 =	vld [tilespmem:s22+$0x70];
	_ =	sdelay $0x4  }
0x7c: {  	v63 =	vshll.u32 v3, $0x1  }
0x7d: {  	v3 =	vand.u32 $0x7, v3;
	v4 =	vand.u32 $0xFFFFFFF0, v63  }
0x7e: {  	v3 =	vor.u32 v3, v4  }
0x7f: {  	v4 =	vperm.xlane v3, v0;
	_ =	sdelay $0x1  }
0x80: {  	v3 =	vperm.xlane v3, v2;
	v4 =	vadd.s32 v1, v4;
	_ =	sdelay $0x1  }
0x81: {  	v3 =	vadd.s32 v1, v3;
	_ =	sdelay $0x1  }
0x82: {  	p2 =	por !p2, !p2;
	p3 =	seq.s32 s18, s13;
	s31 =	sor.u32 $0x7100, s21  }
0x83: {  	[tilespmem:s31], [sflag:$0x5] =	stream.indirect_vreg.gather [hbm4b:s1+s5], $0x80, v4, vm0, $0x2000b8;
	[tilespmem:$0x10100] =	vst v63  }
0x84: {  	p2 =	por !p2, !p3;
	s21 =	sor.u32 $0x7900, s21  }
0x85: {  	[tilespmem:s21], [sflag:$0x5] =	stream.indirect_vreg.gather [hbm4b:s1+s5], $0x80, v3, vm0, $0x2000b8;
	[tilespmem:$0x10100] =	vst v63  }
0x86: {  	s18 =	sadd.s32 s6, s18;
	p2 =	por !p2, !p2;
	_ =	swait.ge [sflag:s9], $0x8000  }
0x87: {  	s18 =	sshll.u32 @!p2 s18, $0xC;
	p0 =	por p2, p0;
	[sflag:s9] =	ssyncset.done $0x0  }
.Ltmp2:
0x88: {  	s18 =	sand.u32 @!p2 $0x1FFFF000, s18;
	[sflag:s9] =	ssyncadd.s32 $0xFFFF8000;
	(pc) =	sbr.rel @!p0 .LBB2_4-.Ltmp2, $4  }
0x89: {  	s18 =	sadd.s32 @!p2 s3, s18;
	_ =	strace $0x90000055  }
0x8a: {  	s19 =	sadd.s32 @!p2 $0x3, s19;
	s21 =	simm.s32 @!p2 $0x0;
	_ =	strace @!p2 $0x80000056  }
0x8b: {  	[hbm4b:s18+s21] =	stream.linear.scatter @!p2 [tilespmem:s20], [sflag:s19], $0x8000, $0x200038;
	[tilespmem:$0x10100] =	vst v63  }
0x8c: {  	_ =	strace @!p2 $0x90000056  }
.Ltmp3:
0x8d: {  	s18 =	simm.s32 $0x1;
	(pc) =	sbr.rel .LBB2_2-.Ltmp3, $4  }
0x8e: {  	s19 =	simm.s32 @!p2 $0x1;
	s12 =	sadd.s32 s16, s12;
	s18 =	simm.s32 @!p1 $0x0  }
0x8f: {  	s16 =	simm.s32 $0x1;
	s15 =	sadd.s32 s18, s15;
	s18 =	sadd.s32 @!p2 $0x1, s17  }
0x90: {  	p0 =	por $0x0, $0x0;
	s19 =	simm.s32 @p2 $0x0;
	s18 =	smov.u32 @p2 s17  }
0x91: {  	s14 =	sadd.s32 s14, s19;
	p2 =	por $0x1, $0x1;
	s17 =	smov.u32 s18  }
.LBB2_5:
0x92: {  	_ =	sfence.sel $0x180000  }
0x93: {  	[bflag:$0x0] =	sbarrier.arrive $0xFFFF  }
0x94: {  	p0 =	sne.s32 s4, $0x0;
	_ =	strace $0x90000051  }
0x95: {  	s0 =	sadd.s32 @!p0 $0x100000, s0;
	[bflag:$0x2] =	sbarrier.arrive $0xFFFF  }
0x96: {  	[sflag:s0] =	ssyncadd.tile.s32 @!p0 $0x1;
	_ =	shalt  }
.Lfunc_end2:
_tile_overlayer_lowered:
.L_overlay_start_2:
0x97: {  	(tag) =	ssettag $0x2  }
0x98: {  	s0 =	rddreg [dreg:$0x0];
	s2 =	stileid.u32  }
0x99: {  	s1 =	rddreg [dreg:$0x1];
	p0 =	sne.s32 s2, $0x0  }
0x9a: {  	s3 =	rddreg [dreg:$0x2];
	[bflag:$0x3] =	sbarrier.arrive $0xFFFF;
	s2 =	simm.s32 @!p0 $0x1C01  }
0x9b: {  	[timem:s3], [sflag:s2] =	dma.local @!p0 [hbm:s0], s1  }
0x9c: {  	s0 =	simm.s32 @!p0 $0x1  }
0x9d: {  	_ =	swait.ge @!p0 [sflag:s0], s1  }
0x9e: {  	s1 =	ssub.s32 @!p0 $0x0, s1;
	[sflag:s0] =	ssyncset.done @!p0 $0x0  }
0x9f: {  	[sflag:s0] =	ssyncadd.s32 @!p0 s1  }
0xa0: {  	[bflag:$0x3] =	sbarrier.arrive $0xFFFF  }
0xa1: {  	_ =	shalt  }

</sc_bundles>
